<compile_context>
chip_gen: v7x
topology: tpu7x:2x2x1
jax: 0.10.2.dev20260603
libtpu: 0.0.44.dev20260713+nightly
codegen_flags: <defaults>
</compile_context>

<pallas_src>
import jax
import jax.numpy as jnp
from jax import lax
from jax.experimental import pallas as pl
from jax.experimental.pallas import tpu as pltpu
from jax.experimental.pallas import tpu_sc as plsc

B = 16
T = 1024
L = 16
NCHUNK = T // L
NEG_INF = float("-inf")


def _sc_body(starts_hbm, ends_hbm, frames_hbm, out_hbm, vs, ve, vf, vout):
    b = lax.axis_index("s")
    pltpu.sync_copy(starts_hbm.at[b], vs)
    pltpu.sync_copy(ends_hbm.at[b], ve)
    pltpu.sync_copy(frames_hbm.at[b], vf)

    lane = lax.broadcasted_iota(jnp.int32, (L,), 0)
    lshift = jnp.maximum(lane - 1, 0)

    def load16(ref, i):
        return ref[lax.shift_right_logical(i, 3),
                   pl.ds(jnp.bitwise_and(i, 7) * L, L)]

    UNROLL = 4

    def phase_a(j, carry):
        rv, bestv, bestc = carry
        for k in range(UNROLL):
            i = j * UNROLL + k
            s_vec = load16(vs, i)
            e_vec = load16(ve, i)
            incl = plsc.cummax(s_vec)
            ex = incl.at[lshift].get(mode="promise_in_bounds")
            pfx = jnp.maximum(jnp.where(lane == 0, NEG_INF, ex), rv)
            cand = pfx + e_vec
            upd = cand > bestv
            bestc = jnp.where(upd, i, bestc)
            bestv = jnp.where(upd, cand, bestv)
            rv = jnp.maximum(rv, jnp.max(s_vec))
        return rv, bestv, bestc

    init_a = (jnp.full((L,), NEG_INF, jnp.float32),
              jnp.full((L,), NEG_INF, jnp.float32),
              jnp.zeros((L,), jnp.int32))
    _, bestv, bestc = lax.fori_loop(0, NCHUNK // UNROLL, phase_a, init_a)

    gmax = jnp.max(bestv)
    e_cand = bestc * L + lane
    e_star = jnp.min(jnp.where(bestv == gmax, e_cand, T))
    chunk_e = lax.shift_right_logical(e_star, 4)
    lane_e = jnp.bitwise_and(e_star, L - 1)

    def phase_b(j, carry):
        sbv, sbc = carry
        for k in range(UNROLL):
            i = j * UNROLL + k
            s_vec = load16(vs, i)
            valid = jnp.logical_or(
                i < chunk_e,
                jnp.logical_and(i == chunk_e, lane < lane_e))
            sv = jnp.where(valid, s_vec, NEG_INF)
            upd = sv > sbv
            sbc = jnp.where(upd, i, sbc)
            sbv = jnp.where(upd, sv, sbv)
        return sbv, sbc

    init_b = (jnp.full((L,), NEG_INF, jnp.float32),
              jnp.zeros((L,), jnp.int32))
    trips_b = lax.shift_right_logical(chunk_e + UNROLL, 2)
    sbv, sbc = lax.fori_loop(0, trips_b, phase_b, init_b)
    smax = jnp.max(sbv)
    s_star = jnp.min(jnp.where(sbv == smax, sbc * L + lane, T))

    idx = jnp.where(lane == 0, s_star, e_star)
    frames = plsc.load_gather(vf, [lax.shift_right_logical(idx, 7),
                                   jnp.bitwise_and(idx, 127)])
    res = frames.astype(jnp.float32) + jnp.where(
        lane == 1, jnp.float32(1.0), jnp.float32(0.0))
    vout[...] = res
    pltpu.sync_copy(vout, out_hbm.at[b, 0, pl.ds(0, L)])


@jax.jit
def _post_process(starts, ends, frames):
    mesh = plsc.VectorSubcoreMesh(
        core_axis_name="c", subcore_axis_name="s", num_cores=1)
    run = pl.kernel(
        _sc_body,
        out_type=jax.ShapeDtypeStruct((B, 8, 128), jnp.float32),
        mesh=mesh,
        compiler_params=pltpu.CompilerParams(needs_layout_passes=False),
        scratch_types=[
            pltpu.VMEM((8, 128), jnp.float32),
            pltpu.VMEM((8, 128), jnp.float32),
            pltpu.VMEM((8, 128), jnp.int32),
            pltpu.VMEM((L,), jnp.float32),
        ],
    )
    out = run(starts, ends, frames)
    return out[:, 0, :2]


def kernel(temporal_dist, time_mask, frames_id):
    del time_mask
    starts = temporal_dist[:, :, 0].reshape(B, 8, 128)
    ends = temporal_dist[:, :, 1].reshape(B, 8, 128)
    frames = frames_id.astype(jnp.int32).reshape(B, 8, 128)
    return _post_process(starts, ends, frames)

# --- scband reference (transcript-rebuilt; emitter-appended) ---
"""Pipeline reference for scband-post-process-stvg-65798898974899 (READ-ONLY COPY).

The authoritative reference and input builder live on the scoring server;
editing this copy changes nothing except your own understanding.
"""

import jax, jax.numpy as jnp
import numpy as np

B, T = 16, 1024

def setup_inputs(seed: int = 0) -> dict:
    key = jax.random.key(seed)
    k1, k2 = jax.random.split(key)
    temporal_dist = jax.random.normal(k1, (B, T, 2), dtype=jnp.float32)
    # time_mask: True on padded positions (no padding here)
    time_mask = jnp.zeros((B, T), dtype=bool)
    # frames_id: increasing frame ids per video (already dense, length T each)
    frames_id = (jnp.arange(B * T).reshape(B, T)).astype(jnp.int32)
    return {"temporal_dist": temporal_dist, "time_mask": time_mask, "frames_id": frames_id}

def reference(temporal_dist, time_mask, frames_id):
    # Faithful port of PostProcessSTVG.forward, temporal_decoder_type='distribution',
    # with all video_ids unique (so the regrouping path is skipped, matching torch).
    steds = temporal_dist  # [B, T, 2]
    Tt = steds.shape[1]
    # torch: mask = (ones(T,T) * -inf).tril(0) -> -inf on and below diagonal, 0 above
    mask = jnp.where(jnp.tril(jnp.ones((Tt, Tt), dtype=bool), 0), -jnp.inf, 0.0).astype(steds.dtype)[None]
    starts_distribution = jax.nn.log_softmax(steds[:, :, 0], axis=1)  # [B, T]
    ends_distribution = jax.nn.log_softmax(steds[:, :, 1], axis=1)    # [B, T]
    # score[b, s, e] = start[b, s] + end[b, e] + mask[s, e]
    score = starts_distribution[:, :, None] + ends_distribution[:, None, :] + mask  # [B, T, T]
    s_idx = jnp.argmax(score, axis=1)           # [B, T] best start per end
    score1 = jnp.max(score, axis=1)             # [B, T]
    e_idx = jnp.argmax(score1, axis=1)          # [B]
    s_sel = jnp.take_along_axis(s_idx, e_idx[:, None], axis=1)[:, 0]  # [B]
    pred_steds = jnp.stack([s_sel, e_idx], axis=1)                    # [B, 2]
    # map decoder indices -> frame ids
    pred = jnp.take_along_axis(frames_id, pred_steds, axis=1).astype(jnp.float32)  # [B, 2]
    pred = pred.at[:, 1].add(1.0)
    return pred

if False:  # reference __main__ guard neutralized (emitter)
    out = reference(**setup_inputs())
    print(out.shape, out.dtype)

if __name__ == "__main__":
    import jax
    _d = setup_inputs()
    print(jax.jit(kernel)(*tuple(_d.values())))

</pallas_src>

<mosaic_0001>
#map = affine_map<(d0, d1) -> (0, 0, 0)>
module attributes {stable_mosaic.version = 14 : i64} {
  func.func @_sc_body(%arg0: i32, %arg1: i32, %arg2: memref<16x8x128xf32, #tpu.memory_space<hbm>>, %arg3: memref<16x8x128xf32, #tpu.memory_space<hbm>>, %arg4: memref<16x8x128xi32, #tpu.memory_space<hbm>>, %arg5: memref<16x8x128xf32, #tpu.memory_space<hbm>>, %arg6: memref<8x128xf32, #tpu.memory_space<vmem>>, %arg7: memref<8x128xf32, #tpu.memory_space<vmem>>, %arg8: memref<8x128xi32, #tpu.memory_space<vmem>>, %arg9: memref<16xf32, #tpu.memory_space<vmem>>) attributes {dimension_semantics = [#tpu.dimension_semantics<core_parallel>, #tpu.dimension_semantics<subcore_parallel>], iteration_bounds = array<i64: 1, 16>, scalar_prefetch = 0 : i64, scratch_operands = 4 : i64, tpu.core_type = #tpu.core_type<sc_vector_subcore>, window_params = [{transform_indices = #map}, {transform_indices = #map}, {transform_indices = #map}, {transform_indices = #map}]} {
    "tpu.region"() ({
      %run_scoped3A_91 = tpu.sem_alloc : memref<!tpu.dma_semaphore, #tpu.memory_space<semaphore_mem>>
      %dma_start3A = arith.constant 0 : i32
      %dma_start3A_92 = arith.constant 0 : i32
      %dma_start3A_93 = tpu.memref_slice %arg2[%arg1, %dma_start3A, %dma_start3A_92] : memref<16x8x128xf32, #tpu.memory_space<hbm>> -> memref<1x8x128xf32, #tpu.memory_space<hbm>>
      %dma_start3A_94 = tpu.memref_squeeze %dma_start3A_93 : memref<1x8x128xf32, #tpu.memory_space<hbm>> -> memref<8x128xf32, #tpu.memory_space<hbm>>
      %dma_start3A_95 = arith.constant 0 : i32
      %dma_start3A_96 = arith.constant 0 : i32
      %dma_start3A_97 = tpu.memref_slice %arg2[%arg1, %dma_start3A_95, %dma_start3A_96] : memref<16x8x128xf32, #tpu.memory_space<hbm>> -> memref<1x8x128xf32, #tpu.memory_space<hbm>>
      %dma_start3A_98 = tpu.memref_squeeze %dma_start3A_97 : memref<1x8x128xf32, #tpu.memory_space<hbm>> -> memref<8x128xf32, #tpu.memory_space<hbm>>
      tpu.enqueue_dma source(%dma_start3A_98 : memref<8x128xf32, #tpu.memory_space<hbm>>) target(%arg6 : memref<8x128xf32, #tpu.memory_space<vmem>>) target_semaphore(%run_scoped3A_91 : memref<!tpu.dma_semaphore, #tpu.memory_space<semaphore_mem>>)
      %dma_wait3A = arith.constant 0 : i32
      %dma_wait3A_99 = arith.constant 0 : i32
      %dma_wait3A_100 = tpu.memref_slice %arg2[%arg1, %dma_wait3A, %dma_wait3A_99] : memref<16x8x128xf32, #tpu.memory_space<hbm>> -> memref<1x8x128xf32, #tpu.memory_space<hbm>>
      %dma_wait3A_101 = tpu.memref_squeeze %dma_wait3A_100 : memref<1x8x128xf32, #tpu.memory_space<hbm>> -> memref<8x128xf32, #tpu.memory_space<hbm>>
      %dma_wait3A_102 = arith.constant 0 : i32
      %dma_wait3A_103 = arith.constant 0 : i32
      %dma_wait3A_104 = tpu.memref_slice %arg2[%arg1, %dma_wait3A_102, %dma_wait3A_103] : memref<16x8x128xf32, #tpu.memory_space<hbm>> -> memref<1x8x128xf32, #tpu.memory_space<hbm>>
      %dma_wait3A_105 = tpu.memref_squeeze %dma_wait3A_104 : memref<1x8x128xf32, #tpu.memory_space<hbm>> -> memref<8x128xf32, #tpu.memory_space<hbm>>
      tpu.wait_dma2 semaphore(%run_scoped3A_91 : memref<!tpu.dma_semaphore, #tpu.memory_space<semaphore_mem>>) src(%dma_wait3A_105 : memref<8x128xf32, #tpu.memory_space<hbm>>) dst(%arg6 : memref<8x128xf32, #tpu.memory_space<vmem>>)
      tpu.yield
    }) : () -> ()
    "tpu.region"() ({
      %run_scoped3A_91 = tpu.sem_alloc : memref<!tpu.dma_semaphore, #tpu.memory_space<semaphore_mem>>
      %dma_start3A = arith.constant 0 : i32
      %dma_start3A_92 = arith.constant 0 : i32
      %dma_start3A_93 = tpu.memref_slice %arg3[%arg1, %dma_start3A, %dma_start3A_92] : memref<16x8x128xf32, #tpu.memory_space<hbm>> -> memref<1x8x128xf32, #tpu.memory_space<hbm>>
      %dma_start3A_94 = tpu.memref_squeeze %dma_start3A_93 : memref<1x8x128xf32, #tpu.memory_space<hbm>> -> memref<8x128xf32, #tpu.memory_space<hbm>>
      %dma_start3A_95 = arith.constant 0 : i32
      %dma_start3A_96 = arith.constant 0 : i32
      %dma_start3A_97 = tpu.memref_slice %arg3[%arg1, %dma_start3A_95, %dma_start3A_96] : memref<16x8x128xf32, #tpu.memory_space<hbm>> -> memref<1x8x128xf32, #tpu.memory_space<hbm>>
      %dma_start3A_98 = tpu.memref_squeeze %dma_start3A_97 : memref<1x8x128xf32, #tpu.memory_space<hbm>> -> memref<8x128xf32, #tpu.memory_space<hbm>>
      tpu.enqueue_dma source(%dma_start3A_98 : memref<8x128xf32, #tpu.memory_space<hbm>>) target(%arg7 : memref<8x128xf32, #tpu.memory_space<vmem>>) target_semaphore(%run_scoped3A_91 : memref<!tpu.dma_semaphore, #tpu.memory_space<semaphore_mem>>)
      %dma_wait3A = arith.constant 0 : i32
      %dma_wait3A_99 = arith.constant 0 : i32
      %dma_wait3A_100 = tpu.memref_slice %arg3[%arg1, %dma_wait3A, %dma_wait3A_99] : memref<16x8x128xf32, #tpu.memory_space<hbm>> -> memref<1x8x128xf32, #tpu.memory_space<hbm>>
      %dma_wait3A_101 = tpu.memref_squeeze %dma_wait3A_100 : memref<1x8x128xf32, #tpu.memory_space<hbm>> -> memref<8x128xf32, #tpu.memory_space<hbm>>
      %dma_wait3A_102 = arith.constant 0 : i32
      %dma_wait3A_103 = arith.constant 0 : i32
      %dma_wait3A_104 = tpu.memref_slice %arg3[%arg1, %dma_wait3A_102, %dma_wait3A_103] : memref<16x8x128xf32, #tpu.memory_space<hbm>> -> memref<1x8x128xf32, #tpu.memory_space<hbm>>
      %dma_wait3A_105 = tpu.memref_squeeze %dma_wait3A_104 : memref<1x8x128xf32, #tpu.memory_space<hbm>> -> memref<8x128xf32, #tpu.memory_space<hbm>>
      tpu.wait_dma2 semaphore(%run_scoped3A_91 : memref<!tpu.dma_semaphore, #tpu.memory_space<semaphore_mem>>) src(%dma_wait3A_105 : memref<8x128xf32, #tpu.memory_space<hbm>>) dst(%arg7 : memref<8x128xf32, #tpu.memory_space<vmem>>)
      tpu.yield
    }) : () -> ()
    "tpu.region"() ({
      %run_scoped3A_91 = tpu.sem_alloc : memref<!tpu.dma_semaphore, #tpu.memory_space<semaphore_mem>>
      %dma_start3A = arith.constant 0 : i32
      %dma_start3A_92 = arith.constant 0 : i32
      %dma_start3A_93 = tpu.memref_slice %arg4[%arg1, %dma_start3A, %dma_start3A_92] : memref<16x8x128xi32, #tpu.memory_space<hbm>> -> memref<1x8x128xi32, #tpu.memory_space<hbm>>
      %dma_start3A_94 = tpu.memref_squeeze %dma_start3A_93 : memref<1x8x128xi32, #tpu.memory_space<hbm>> -> memref<8x128xi32, #tpu.memory_space<hbm>>
      %dma_start3A_95 = arith.constant 0 : i32
      %dma_start3A_96 = arith.constant 0 : i32
      %dma_start3A_97 = tpu.memref_slice %arg4[%arg1, %dma_start3A_95, %dma_start3A_96] : memref<16x8x128xi32, #tpu.memory_space<hbm>> -> memref<1x8x128xi32, #tpu.memory_space<hbm>>
      %dma_start3A_98 = tpu.memref_squeeze %dma_start3A_97 : memref<1x8x128xi32, #tpu.memory_space<hbm>> -> memref<8x128xi32, #tpu.memory_space<hbm>>
      tpu.enqueue_dma source(%dma_start3A_98 : memref<8x128xi32, #tpu.memory_space<hbm>>) target(%arg8 : memref<8x128xi32, #tpu.memory_space<vmem>>) target_semaphore(%run_scoped3A_91 : memref<!tpu.dma_semaphore, #tpu.memory_space<semaphore_mem>>)
      %dma_wait3A = arith.constant 0 : i32
      %dma_wait3A_99 = arith.constant 0 : i32
      %dma_wait3A_100 = tpu.memref_slice %arg4[%arg1, %dma_wait3A, %dma_wait3A_99] : memref<16x8x128xi32, #tpu.memory_space<hbm>> -> memref<1x8x128xi32, #tpu.memory_space<hbm>>
      %dma_wait3A_101 = tpu.memref_squeeze %dma_wait3A_100 : memref<1x8x128xi32, #tpu.memory_space<hbm>> -> memref<8x128xi32, #tpu.memory_space<hbm>>
      %dma_wait3A_102 = arith.constant 0 : i32
      %dma_wait3A_103 = arith.constant 0 : i32
      %dma_wait3A_104 = tpu.memref_slice %arg4[%arg1, %dma_wait3A_102, %dma_wait3A_103] : memref<16x8x128xi32, #tpu.memory_space<hbm>> -> memref<1x8x128xi32, #tpu.memory_space<hbm>>
      %dma_wait3A_105 = tpu.memref_squeeze %dma_wait3A_104 : memref<1x8x128xi32, #tpu.memory_space<hbm>> -> memref<8x128xi32, #tpu.memory_space<hbm>>
      tpu.wait_dma2 semaphore(%run_scoped3A_91 : memref<!tpu.dma_semaphore, #tpu.memory_space<semaphore_mem>>) src(%dma_wait3A_105 : memref<8x128xi32, #tpu.memory_space<hbm>>) dst(%arg8 : memref<8x128xi32, #tpu.memory_space<vmem>>)
      tpu.yield
    }) : () -> ()
    %iota3A = tpu.iota {dimensions = array<i32: 0>} : vector<16xi32>
    %sub3A = arith.constant 1 : i32
    %sub3A_0 = vector.broadcast %sub3A : i32 to vector<16xi32>
    %sub3A_1 = arith.subi %iota3A, %sub3A_0 : vector<16xi32>
    %max3A = arith.constant 0 : i32
    %max3A_2 = vector.broadcast %max3A : i32 to vector<16xi32>
    %max3A_3 = arith.maxsi %sub3A_1, %max3A_2 : vector<16xi32>
    %broadcast_in_dim3A = arith.constant 0xFF800000 : f32
    %broadcast_in_dim3A_4 = vector.broadcast %broadcast_in_dim3A : f32 to vector<16xf32>
    %broadcast_in_dim3A_5 = arith.constant 0xFF800000 : f32
    %broadcast_in_dim3A_6 = vector.broadcast %broadcast_in_dim3A_5 : f32 to vector<16xf32>
    %broadcast_in_dim3A_7 = arith.constant 0 : i32
    %broadcast_in_dim3A_8 = vector.broadcast %broadcast_in_dim3A_7 : i32 to vector<16xi32>
    %scan3A = arith.constant 0 : i32
    %scan3A_9 = arith.constant 16 : i32
    %scan3A_10 = arith.addi %scan3A, %scan3A_9 : i32
    %scan3A_11 = arith.constant 1 : i32
    %scan3A_12:3 = scf.for %scan3A_91 = %scan3A to %scan3A_10 step %scan3A_11 iter_args(%scan3A_92 = %broadcast_in_dim3A_4, %scan3A_93 = %broadcast_in_dim3A_6, %scan3A_94 = %broadcast_in_dim3A_8) -> (vector<16xf32>, vector<16xf32>, vector<16xi32>)  : i32 {
      %mul3A_95 = arith.constant 4 : i32
      %mul3A_96 = arith.muli %scan3A_91, %mul3A_95 : i32
      %add3A_97 = arith.constant 0 : i32
      %add3A_98 = arith.addi %mul3A_96, %add3A_97 : i32
      %shift_right_logical3A_99 = arith.constant 3 : i32
      %shift_right_logical3A_100 = arith.shrui %add3A_98, %shift_right_logical3A_99 : i32
      %and3A_101 = arith.constant 7 : i32
      %and3A_102 = arith.andi %add3A_98, %and3A_101 : i32
      %mul3A_103 = arith.constant 16 : i32
      %mul3A_104 = arith.muli %and3A_102, %mul3A_103 : i32
      %get3A = arith.index_cast %shift_right_logical3A_100 : i32 to index
      %get3A_105 = arith.index_cast %mul3A_104 : i32 to index
      %get3A_106 = tpu.vector_load %arg6[%get3A, %get3A_105] {strides = array<i32>} : memref<8x128xf32, #tpu.memory_space<vmem>>, vector<16xf32>,
      %shift_right_logical3A_107 = arith.constant 3 : i32
      %shift_right_logical3A_108 = arith.shrui %add3A_98, %shift_right_logical3A_107 : i32
      %and3A_109 = arith.constant 7 : i32
      %and3A_110 = arith.andi %add3A_98, %and3A_109 : i32
      %mul3A_111 = arith.constant 16 : i32
      %mul3A_112 = arith.muli %and3A_110, %mul3A_111 : i32
      %get3A_113 = arith.index_cast %shift_right_logical3A_108 : i32 to index
      %get3A_114 = arith.index_cast %mul3A_112 : i32 to index
      %get3A_115 = tpu.vector_load %arg7[%get3A_113, %get3A_114] {strides = array<i32>} : memref<8x128xf32, #tpu.memory_space<vmem>>, vector<16xf32>,
      %broadcast_in_dim3A_116 = arith.constant true
      %broadcast_in_dim3A_117 = vector.broadcast %broadcast_in_dim3A_116 : i1 to vector<16xi1>
      %masked_cummax3A = tpu.scan <max>, %get3A_106 masked %broadcast_in_dim3A_117 : vector<16xf32>, vector<16xi1> -> vector<16xf32>
      %lt3A = arith.constant 0 : i32
      %lt3A_118 = vector.broadcast %lt3A : i32 to vector<16xi32>
      %lt3A_119 = arith.cmpi slt, %max3A_3, %lt3A_118 : vector<16xi32>
      %add3A_120 = arith.constant 16 : i32
      %add3A_121 = vector.broadcast %add3A_120 : i32 to vector<16xi32>
      %add3A_122 = arith.addi %max3A_3, %add3A_121 : vector<16xi32>
      %select_n3A_123 = arith.select %lt3A_119, %add3A_122, %max3A_3 : vector<16xi1>, vector<16xi32>
      %broadcast_in_dim3A_124 = vector.shape_cast %select_n3A_123 : vector<16xi32> to vector<16x1xi32>
      %gather3A_125 = vector.shape_cast %broadcast_in_dim3A_124 : vector<16x1xi32> to vector<16xi32>
      %gather3A_126 = tpu.dynamic_gather %masked_cummax3A[%gather3A_125] in [0] : vector<16xf32>, vector<16xi32> -> vector<16xf32>
      %eq3A_127 = arith.constant 0 : i32
      %eq3A_128 = vector.broadcast %eq3A_127 : i32 to vector<16xi32>
      %eq3A_129 = arith.cmpi eq, %iota3A, %eq3A_128 : vector<16xi32>
      %jit3A_130 = arith.constant 0xFF800000 : f32
      %broadcast_in_dim3A_131 = vector.broadcast %jit3A_130 : f32 to vector<16xf32>
      %select_n3A_132 = arith.select %eq3A_129, %broadcast_in_dim3A_131, %gather3A_126 : vector<16xi1>, vector<16xf32>
      %max3A_133 = arith.maximumf %select_n3A_132, %scan3A_92 : vector<16xf32>
      %add3A_134 = arith.addf %max3A_133, %get3A_115 : vector<16xf32>
      %gt3A = arith.cmpf ogt, %add3A_134, %scan3A_93 : vector<16xf32>
      %broadcast_in_dim3A_135 = vector.broadcast %add3A_98 : i32 to vector<16xi32>
      %select_n3A_136 = arith.select %gt3A, %broadcast_in_dim3A_135, %scan3A_94 : vector<16xi1>, vector<16xi32>
      %select_n3A_137 = arith.select %gt3A, %add3A_134, %scan3A_93 : vector<16xi1>, vector<16xf32>
      %reduce_max3A_138 = arith.constant true
      %reduce_max3A_139 = vector.broadcast %reduce_max3A_138 : i1 to vector<16xi1>
      %reduce_max3A_140 = tpu.scan <max>, %get3A_106 masked %reduce_max3A_139 : vector<16xf32>, vector<16xi1> -> vector<16xf32>
      %reduce_max3A_141 = vector.extract %reduce_max3A_140[15] : f32 from vector<16xf32>
      %max3A_142 = vector.broadcast %reduce_max3A_141 : f32 to vector<16xf32>
      %max3A_143 = arith.maximumf %scan3A_92, %max3A_142 : vector<16xf32>
      %mul3A_144 = arith.constant 4 : i32
      %mul3A_145 = arith.muli %scan3A_91, %mul3A_144 : i32
      %add3A_146 = arith.constant 1 : i32
      %add3A_147 = arith.addi %mul3A_145, %add3A_146 : i32
      %shift_right_logical3A_148 = arith.constant 3 : i32
      %shift_right_logical3A_149 = arith.shrui %add3A_147, %shift_right_logical3A_148 : i32
      %and3A_150 = arith.constant 7 : i32
      %and3A_151 = arith.andi %add3A_147, %and3A_150 : i32
      %mul3A_152 = arith.constant 16 : i32
      %mul3A_153 = arith.muli %and3A_151, %mul3A_152 : i32
      %get3A_154 = arith.index_cast %shift_right_logical3A_149 : i32 to index
      %get3A_155 = arith.index_cast %mul3A_153 : i32 to index
      %get3A_156 = tpu.vector_load %arg6[%get3A_154, %get3A_155] {strides = array<i32>} : memref<8x128xf32, #tpu.memory_space<vmem>>, vector<16xf32>,
      %shift_right_logical3A_157 = arith.constant 3 : i32
      %shift_right_logical3A_158 = arith.shrui %add3A_147, %shift_right_logical3A_157 : i32
      %and3A_159 = arith.constant 7 : i32
      %and3A_160 = arith.andi %add3A_147, %and3A_159 : i32
      %mul3A_161 = arith.constant 16 : i32
      %mul3A_162 = arith.muli %and3A_160, %mul3A_161 : i32
      %get3A_163 = arith.index_cast %shift_right_logical3A_158 : i32 to index
      %get3A_164 = arith.index_cast %mul3A_162 : i32 to index
      %get3A_165 = tpu.vector_load %arg7[%get3A_163, %get3A_164] {strides = array<i32>} : memref<8x128xf32, #tpu.memory_space<vmem>>, vector<16xf32>,
      %broadcast_in_dim3A_166 = arith.constant true
      %broadcast_in_dim3A_167 = vector.broadcast %broadcast_in_dim3A_166 : i1 to vector<16xi1>
      %masked_cummax3A_168 = tpu.scan <max>, %get3A_156 masked %broadcast_in_dim3A_167 : vector<16xf32>, vector<16xi1> -> vector<16xf32>
      %lt3A_169 = arith.constant 0 : i32
      %lt3A_170 = vector.broadcast %lt3A_169 : i32 to vector<16xi32>
      %lt3A_171 = arith.cmpi slt, %max3A_3, %lt3A_170 : vector<16xi32>
      %add3A_172 = arith.constant 16 : i32
      %add3A_173 = vector.broadcast %add3A_172 : i32 to vector<16xi32>
      %add3A_174 = arith.addi %max3A_3, %add3A_173 : vector<16xi32>
      %select_n3A_175 = arith.select %lt3A_171, %add3A_174, %max3A_3 : vector<16xi1>, vector<16xi32>
      %broadcast_in_dim3A_176 = vector.shape_cast %select_n3A_175 : vector<16xi32> to vector<16x1xi32>
      %gather3A_177 = vector.shape_cast %broadcast_in_dim3A_176 : vector<16x1xi32> to vector<16xi32>
      %gather3A_178 = tpu.dynamic_gather %masked_cummax3A_168[%gather3A_177] in [0] : vector<16xf32>, vector<16xi32> -> vector<16xf32>
      %eq3A_179 = arith.constant 0 : i32
      %eq3A_180 = vector.broadcast %eq3A_179 : i32 to vector<16xi32>
      %eq3A_181 = arith.cmpi eq, %iota3A, %eq3A_180 : vector<16xi32>
      %jit3A_182 = arith.constant 0xFF800000 : f32
      %broadcast_in_dim3A_183 = vector.broadcast %jit3A_182 : f32 to vector<16xf32>
      %select_n3A_184 = arith.select %eq3A_181, %broadcast_in_dim3A_183, %gather3A_178 : vector<16xi1>, vector<16xf32>
      %max3A_185 = arith.maximumf %select_n3A_184, %max3A_143 : vector<16xf32>
      %add3A_186 = arith.addf %max3A_185, %get3A_165 : vector<16xf32>
      %gt3A_187 = arith.cmpf ogt, %add3A_186, %select_n3A_137 : vector<16xf32>
      %broadcast_in_dim3A_188 = vector.broadcast %add3A_147 : i32 to vector<16xi32>
      %select_n3A_189 = arith.select %gt3A_187, %broadcast_in_dim3A_188, %select_n3A_136 : vector<16xi1>, vector<16xi32>
      %select_n3A_190 = arith.select %gt3A_187, %add3A_186, %select_n3A_137 : vector<16xi1>, vector<16xf32>
      %reduce_max3A_191 = arith.constant true
      %reduce_max3A_192 = vector.broadcast %reduce_max3A_191 : i1 to vector<16xi1>
      %reduce_max3A_193 = tpu.scan <max>, %get3A_156 masked %reduce_max3A_192 : vector<16xf32>, vector<16xi1> -> vector<16xf32>
      %reduce_max3A_194 = vector.extract %reduce_max3A_193[15] : f32 from vector<16xf32>
      %max3A_195 = vector.broadcast %reduce_max3A_194 : f32 to vector<16xf32>
      %max3A_196 = arith.maximumf %max3A_143, %max3A_195 : vector<16xf32>
      %mul3A_197 = arith.constant 4 : i32
      %mul3A_198 = arith.muli %scan3A_91, %mul3A_197 : i32
      %add3A_199 = arith.constant 2 : i32
      %add3A_200 = arith.addi %mul3A_198, %add3A_199 : i32
      %shift_right_logical3A_201 = arith.constant 3 : i32
      %shift_right_logical3A_202 = arith.shrui %add3A_200, %shift_right_logical3A_201 : i32
      %and3A_203 = arith.constant 7 : i32
      %and3A_204 = arith.andi %add3A_200, %and3A_203 : i32
      %mul3A_205 = arith.constant 16 : i32
      %mul3A_206 = arith.muli %and3A_204, %mul3A_205 : i32
      %get3A_207 = arith.index_cast %shift_right_logical3A_202 : i32 to index
      %get3A_208 = arith.index_cast %mul3A_206 : i32 to index
      %get3A_209 = tpu.vector_load %arg6[%get3A_207, %get3A_208] {strides = array<i32>} : memref<8x128xf32, #tpu.memory_space<vmem>>, vector<16xf32>,
      %shift_right_logical3A_210 = arith.constant 3 : i32
      %shift_right_logical3A_211 = arith.shrui %add3A_200, %shift_right_logical3A_210 : i32
      %and3A_212 = arith.constant 7 : i32
      %and3A_213 = arith.andi %add3A_200, %and3A_212 : i32
      %mul3A_214 = arith.constant 16 : i32
      %mul3A_215 = arith.muli %and3A_213, %mul3A_214 : i32
      %get3A_216 = arith.index_cast %shift_right_logical3A_211 : i32 to index
      %get3A_217 = arith.index_cast %mul3A_215 : i32 to index
      %get3A_218 = tpu.vector_load %arg7[%get3A_216, %get3A_217] {strides = array<i32>} : memref<8x128xf32, #tpu.memory_space<vmem>>, vector<16xf32>,
      %broadcast_in_dim3A_219 = arith.constant true
      %broadcast_in_dim3A_220 = vector.broadcast %broadcast_in_dim3A_219 : i1 to vector<16xi1>
      %masked_cummax3A_221 = tpu.scan <max>, %get3A_209 masked %broadcast_in_dim3A_220 : vector<16xf32>, vector<16xi1> -> vector<16xf32>
      %lt3A_222 = arith.constant 0 : i32
      %lt3A_223 = vector.broadcast %lt3A_222 : i32 to vector<16xi32>
      %lt3A_224 = arith.cmpi slt, %max3A_3, %lt3A_223 : vector<16xi32>
      %add3A_225 = arith.constant 16 : i32
      %add3A_226 = vector.broadcast %add3A_225 : i32 to vector<16xi32>
      %add3A_227 = arith.addi %max3A_3, %add3A_226 : vector<16xi32>
      %select_n3A_228 = arith.select %lt3A_224, %add3A_227, %max3A_3 : vector<16xi1>, vector<16xi32>
      %broadcast_in_dim3A_229 = vector.shape_cast %select_n3A_228 : vector<16xi32> to vector<16x1xi32>
      %gather3A_230 = vector.shape_cast %broadcast_in_dim3A_229 : vector<16x1xi32> to vector<16xi32>
      %gather3A_231 = tpu.dynamic_gather %masked_cummax3A_221[%gather3A_230] in [0] : vector<16xf32>, vector<16xi32> -> vector<16xf32>
      %eq3A_232 = arith.constant 0 : i32
      %eq3A_233 = vector.broadcast %eq3A_232 : i32 to vector<16xi32>
      %eq3A_234 = arith.cmpi eq, %iota3A, %eq3A_233 : vector<16xi32>
      %jit3A_235 = arith.constant 0xFF800000 : f32
      %broadcast_in_dim3A_236 = vector.broadcast %jit3A_235 : f32 to vector<16xf32>
      %select_n3A_237 = arith.select %eq3A_234, %broadcast_in_dim3A_236, %gather3A_231 : vector<16xi1>, vector<16xf32>
      %max3A_238 = arith.maximumf %select_n3A_237, %max3A_196 : vector<16xf32>
      %add3A_239 = arith.addf %max3A_238, %get3A_218 : vector<16xf32>
      %gt3A_240 = arith.cmpf ogt, %add3A_239, %select_n3A_190 : vector<16xf32>
      %broadcast_in_dim3A_241 = vector.broadcast %add3A_200 : i32 to vector<16xi32>
      %select_n3A_242 = arith.select %gt3A_240, %broadcast_in_dim3A_241, %select_n3A_189 : vector<16xi1>, vector<16xi32>
      %select_n3A_243 = arith.select %gt3A_240, %add3A_239, %select_n3A_190 : vector<16xi1>, vector<16xf32>
      %reduce_max3A_244 = arith.constant true
      %reduce_max3A_245 = vector.broadcast %reduce_max3A_244 : i1 to vector<16xi1>
      %reduce_max3A_246 = tpu.scan <max>, %get3A_209 masked %reduce_max3A_245 : vector<16xf32>, vector<16xi1> -> vector<16xf32>
      %reduce_max3A_247 = vector.extract %reduce_max3A_246[15] : f32 from vector<16xf32>
      %max3A_248 = vector.broadcast %reduce_max3A_247 : f32 to vector<16xf32>
      %max3A_249 = arith.maximumf %max3A_196, %max3A_248 : vector<16xf32>
      %mul3A_250 = arith.constant 4 : i32
      %mul3A_251 = arith.muli %scan3A_91, %mul3A_250 : i32
      %add3A_252 = arith.constant 3 : i32
      %add3A_253 = arith.addi %mul3A_251, %add3A_252 : i32
      %shift_right_logical3A_254 = arith.constant 3 : i32
      %shift_right_logical3A_255 = arith.shrui %add3A_253, %shift_right_logical3A_254 : i32
      %and3A_256 = arith.constant 7 : i32
      %and3A_257 = arith.andi %add3A_253, %and3A_256 : i32
      %mul3A_258 = arith.constant 16 : i32
      %mul3A_259 = arith.muli %and3A_257, %mul3A_258 : i32
      %get3A_260 = arith.index_cast %shift_right_logical3A_255 : i32 to index
      %get3A_261 = arith.index_cast %mul3A_259 : i32 to index
      %get3A_262 = tpu.vector_load %arg6[%get3A_260, %get3A_261] {strides = array<i32>} : memref<8x128xf32, #tpu.memory_space<vmem>>, vector<16xf32>,
      %shift_right_logical3A_263 = arith.constant 3 : i32
      %shift_right_logical3A_264 = arith.shrui %add3A_253, %shift_right_logical3A_263 : i32
      %and3A_265 = arith.constant 7 : i32
      %and3A_266 = arith.andi %add3A_253, %and3A_265 : i32
      %mul3A_267 = arith.constant 16 : i32
      %mul3A_268 = arith.muli %and3A_266, %mul3A_267 : i32
      %get3A_269 = arith.index_cast %shift_right_logical3A_264 : i32 to index
      %get3A_270 = arith.index_cast %mul3A_268 : i32 to index
      %get3A_271 = tpu.vector_load %arg7[%get3A_269, %get3A_270] {strides = array<i32>} : memref<8x128xf32, #tpu.memory_space<vmem>>, vector<16xf32>,
      %broadcast_in_dim3A_272 = arith.constant true
      %broadcast_in_dim3A_273 = vector.broadcast %broadcast_in_dim3A_272 : i1 to vector<16xi1>
      %masked_cummax3A_274 = tpu.scan <max>, %get3A_262 masked %broadcast_in_dim3A_273 : vector<16xf32>, vector<16xi1> -> vector<16xf32>
      %lt3A_275 = arith.constant 0 : i32
      %lt3A_276 = vector.broadcast %lt3A_275 : i32 to vector<16xi32>
      %lt3A_277 = arith.cmpi slt, %max3A_3, %lt3A_276 : vector<16xi32>
      %add3A_278 = arith.constant 16 : i32
      %add3A_279 = vector.broadcast %add3A_278 : i32 to vector<16xi32>
      %add3A_280 = arith.addi %max3A_3, %add3A_279 : vector<16xi32>
      %select_n3A_281 = arith.select %lt3A_277, %add3A_280, %max3A_3 : vector<16xi1>, vector<16xi32>
      %broadcast_in_dim3A_282 = vector.shape_cast %select_n3A_281 : vector<16xi32> to vector<16x1xi32>
      %gather3A_283 = vector.shape_cast %broadcast_in_dim3A_282 : vector<16x1xi32> to vector<16xi32>
      %gather3A_284 = tpu.dynamic_gather %masked_cummax3A_274[%gather3A_283] in [0] : vector<16xf32>, vector<16xi32> -> vector<16xf32>
      %eq3A_285 = arith.constant 0 : i32
      %eq3A_286 = vector.broadcast %eq3A_285 : i32 to vector<16xi32>
      %eq3A_287 = arith.cmpi eq, %iota3A, %eq3A_286 : vector<16xi32>
      %jit3A_288 = arith.constant 0xFF800000 : f32
      %broadcast_in_dim3A_289 = vector.broadcast %jit3A_288 : f32 to vector<16xf32>
      %select_n3A_290 = arith.select %eq3A_287, %broadcast_in_dim3A_289, %gather3A_284 : vector<16xi1>, vector<16xf32>
      %max3A_291 = arith.maximumf %select_n3A_290, %max3A_249 : vector<16xf32>
      %add3A_292 = arith.addf %max3A_291, %get3A_271 : vector<16xf32>
      %gt3A_293 = arith.cmpf ogt, %add3A_292, %select_n3A_243 : vector<16xf32>
      %broadcast_in_dim3A_294 = vector.broadcast %add3A_253 : i32 to vector<16xi32>
      %select_n3A_295 = arith.select %gt3A_293, %broadcast_in_dim3A_294, %select_n3A_242 : vector<16xi1>, vector<16xi32>
      %select_n3A_296 = arith.select %gt3A_293, %add3A_292, %select_n3A_243 : vector<16xi1>, vector<16xf32>
      %reduce_max3A_297 = arith.constant true
      %reduce_max3A_298 = vector.broadcast %reduce_max3A_297 : i1 to vector<16xi1>
      %reduce_max3A_299 = tpu.scan <max>, %get3A_262 masked %reduce_max3A_298 : vector<16xf32>, vector<16xi1> -> vector<16xf32>
      %reduce_max3A_300 = vector.extract %reduce_max3A_299[15] : f32 from vector<16xf32>
      %max3A_301 = vector.broadcast %reduce_max3A_300 : f32 to vector<16xf32>
      %max3A_302 = arith.maximumf %max3A_249, %max3A_301 : vector<16xf32>
      scf.yield %max3A_302, %select_n3A_296, %select_n3A_295 : vector<16xf32>, vector<16xf32>, vector<16xi32>
    }
    %scan3A_13 = arith.constant 16 : i32
    %reduce_max3A = arith.constant true
    %reduce_max3A_14 = vector.broadcast %reduce_max3A : i1 to vector<16xi1>
    %reduce_max3A_15 = tpu.scan <max>, %scan3A_12#1 masked %reduce_max3A_14 : vector<16xf32>, vector<16xi1> -> vector<16xf32>
    %reduce_max3A_16 = vector.extract %reduce_max3A_15[15] : f32 from vector<16xf32>
    %mul3A = arith.constant 16 : i32
    %mul3A_17 = vector.broadcast %mul3A : i32 to vector<16xi32>
    %mul3A_18 = arith.muli %scan3A_12#2, %mul3A_17 : vector<16xi32>
    %add3A = arith.addi %mul3A_18, %iota3A : vector<16xi32>
    %eq3A = vector.broadcast %reduce_max3A_16 : f32 to vector<16xf32>
    %eq3A_19 = arith.cmpf oeq, %scan3A_12#1, %eq3A : vector<16xf32>
    %jit3A = arith.constant 1024 : i32
    %broadcast_in_dim3A_20 = vector.broadcast %jit3A : i32 to vector<16xi32>
    %select_n3A = arith.select %eq3A_19, %add3A, %broadcast_in_dim3A_20 : vector<16xi1>, vector<16xi32>
    %reduce_min3A = arith.constant true
    %reduce_min3A_21 = vector.broadcast %reduce_min3A : i1 to vector<16xi1>
    %reduce_min3A_22 = arith.constant -2147483648 : i32
    %reduce_min3A_23 = vector.broadcast %reduce_min3A_22 : i32 to vector<16xi32>
    %reduce_min3A_24 = arith.xori %select_n3A, %reduce_min3A_23 : vector<16xi32>
    %reduce_min3A_25 = tpu.scan <min>, %reduce_min3A_24 masked %reduce_min3A_21 : vector<16xi32>, vector<16xi1> -> vector<16xi32>
    %reduce_min3A_26 = arith.xori %reduce_min3A_25, %reduce_min3A_23 : vector<16xi32>
    %reduce_min3A_27 = vector.extract %reduce_min3A_26[15] : i32 from vector<16xi32>
    %shift_right_logical3A = arith.constant 4 : i32
    %shift_right_logical3A_28 = arith.shrui %reduce_min3A_27, %shift_right_logical3A : i32
    %and3A = arith.constant 15 : i32
    %and3A_29 = arith.andi %reduce_min3A_27, %and3A : i32
    %broadcast_in_dim3A_30 = arith.constant 0xFF800000 : f32
    %broadcast_in_dim3A_31 = vector.broadcast %broadcast_in_dim3A_30 : f32 to vector<16xf32>
    %broadcast_in_dim3A_32 = arith.constant 0 : i32
    %broadcast_in_dim3A_33 = vector.broadcast %broadcast_in_dim3A_32 : i32 to vector<16xi32>
    %add3A_34 = arith.constant 4 : i32
    %add3A_35 = arith.addi %shift_right_logical3A_28, %add3A_34 : i32
    %shift_right_logical3A_36 = arith.constant 2 : i32
    %shift_right_logical3A_37 = arith.shrui %add3A_35, %shift_right_logical3A_36 : i32
    %while3A = arith.constant 0 : i32
    %while3A_38 = arith.subi %shift_right_logical3A_37, %while3A : i32
    %while3A_39 = arith.addi %while3A, %while3A_38 : i32
    %while3A_40 = arith.constant 1 : i32
    %while3A_41 = arith.divsi %while3A_38, %while3A_40 : i32
    %while3A_42 = arith.muli %while3A_41, %while3A_40 : i32
    %while3A_43 = arith.addi %while3A, %while3A_42 : i32
    %while3A_44 = arith.constant 1 : i32
    %while3A_45:2 = scf.for %while3A_91 = %while3A to %while3A_43 step %while3A_44 iter_args(%while3A_92 = %broadcast_in_dim3A_31, %while3A_93 = %broadcast_in_dim3A_33) -> (vector<16xf32>, vector<16xi32>)  : i32 {
      %mul3A_94 = arith.constant 4 : i32
      %mul3A_95 = arith.muli %while3A_91, %mul3A_94 : i32
      %add3A_96 = arith.constant 0 : i32
      %add3A_97 = arith.addi %mul3A_95, %add3A_96 : i32
      %shift_right_logical3A_98 = arith.constant 3 : i32
      %shift_right_logical3A_99 = arith.shrui %add3A_97, %shift_right_logical3A_98 : i32
      %and3A_100 = arith.constant 7 : i32
      %and3A_101 = arith.andi %add3A_97, %and3A_100 : i32
      %mul3A_102 = arith.constant 16 : i32
      %mul3A_103 = arith.muli %and3A_101, %mul3A_102 : i32
      %get3A = arith.index_cast %shift_right_logical3A_99 : i32 to index
      %get3A_104 = arith.index_cast %mul3A_103 : i32 to index
      %get3A_105 = tpu.vector_load %arg6[%get3A, %get3A_104] {strides = array<i32>} : memref<8x128xf32, #tpu.memory_space<vmem>>, vector<16xf32>,
      %lt3A = arith.cmpi slt, %add3A_97, %shift_right_logical3A_28 : i32
      %eq3A_106 = arith.cmpi eq, %add3A_97, %shift_right_logical3A_28 : i32
      %lt3A_107 = vector.broadcast %and3A_29 : i32 to vector<16xi32>
      %lt3A_108 = arith.cmpi slt, %iota3A, %lt3A_107 : vector<16xi32>
      %and3A_109 = vector.broadcast %eq3A_106 : i1 to vector<16xi1>
      %and3A_110 = arith.andi %and3A_109, %lt3A_108 : vector<16xi1>
      %or3A = vector.broadcast %lt3A : i1 to vector<16xi1>
      %or3A_111 = arith.ori %or3A, %and3A_110 : vector<16xi1>
      %jit3A_112 = arith.constant 0xFF800000 : f32
      %broadcast_in_dim3A_113 = vector.broadcast %jit3A_112 : f32 to vector<16xf32>
      %select_n3A_114 = arith.select %or3A_111, %get3A_105, %broadcast_in_dim3A_113 : vector<16xi1>, vector<16xf32>
      %gt3A = arith.cmpf ogt, %select_n3A_114, %while3A_92 : vector<16xf32>
      %broadcast_in_dim3A_115 = vector.broadcast %add3A_97 : i32 to vector<16xi32>
      %select_n3A_116 = arith.select %gt3A, %broadcast_in_dim3A_115, %while3A_93 : vector<16xi1>, vector<16xi32>
      %select_n3A_117 = arith.select %gt3A, %select_n3A_114, %while3A_92 : vector<16xi1>, vector<16xf32>
      %mul3A_118 = arith.constant 4 : i32
      %mul3A_119 = arith.muli %while3A_91, %mul3A_118 : i32
      %add3A_120 = arith.constant 1 : i32
      %add3A_121 = arith.addi %mul3A_119, %add3A_120 : i32
      %shift_right_logical3A_122 = arith.constant 3 : i32
      %shift_right_logical3A_123 = arith.shrui %add3A_121, %shift_right_logical3A_122 : i32
      %and3A_124 = arith.constant 7 : i32
      %and3A_125 = arith.andi %add3A_121, %and3A_124 : i32
      %mul3A_126 = arith.constant 16 : i32
      %mul3A_127 = arith.muli %and3A_125, %mul3A_126 : i32
      %get3A_128 = arith.index_cast %shift_right_logical3A_123 : i32 to index
      %get3A_129 = arith.index_cast %mul3A_127 : i32 to index
      %get3A_130 = tpu.vector_load %arg6[%get3A_128, %get3A_129] {strides = array<i32>} : memref<8x128xf32, #tpu.memory_space<vmem>>, vector<16xf32>,
      %lt3A_131 = arith.cmpi slt, %add3A_121, %shift_right_logical3A_28 : i32
      %eq3A_132 = arith.cmpi eq, %add3A_121, %shift_right_logical3A_28 : i32
      %lt3A_133 = vector.broadcast %and3A_29 : i32 to vector<16xi32>
      %lt3A_134 = arith.cmpi slt, %iota3A, %lt3A_133 : vector<16xi32>
      %and3A_135 = vector.broadcast %eq3A_132 : i1 to vector<16xi1>
      %and3A_136 = arith.andi %and3A_135, %lt3A_134 : vector<16xi1>
      %or3A_137 = vector.broadcast %lt3A_131 : i1 to vector<16xi1>
      %or3A_138 = arith.ori %or3A_137, %and3A_136 : vector<16xi1>
      %jit3A_139 = arith.constant 0xFF800000 : f32
      %broadcast_in_dim3A_140 = vector.broadcast %jit3A_139 : f32 to vector<16xf32>
      %select_n3A_141 = arith.select %or3A_138, %get3A_130, %broadcast_in_dim3A_140 : vector<16xi1>, vector<16xf32>
      %gt3A_142 = arith.cmpf ogt, %select_n3A_141, %select_n3A_117 : vector<16xf32>
      %broadcast_in_dim3A_143 = vector.broadcast %add3A_121 : i32 to vector<16xi32>
      %select_n3A_144 = arith.select %gt3A_142, %broadcast_in_dim3A_143, %select_n3A_116 : vector<16xi1>, vector<16xi32>
      %select_n3A_145 = arith.select %gt3A_142, %select_n3A_141, %select_n3A_117 : vector<16xi1>, vector<16xf32>
      %mul3A_146 = arith.constant 4 : i32
      %mul3A_147 = arith.muli %while3A_91, %mul3A_146 : i32
      %add3A_148 = arith.constant 2 : i32
      %add3A_149 = arith.addi %mul3A_147, %add3A_148 : i32
      %shift_right_logical3A_150 = arith.constant 3 : i32
      %shift_right_logical3A_151 = arith.shrui %add3A_149, %shift_right_logical3A_150 : i32
      %and3A_152 = arith.constant 7 : i32
      %and3A_153 = arith.andi %add3A_149, %and3A_152 : i32
      %mul3A_154 = arith.constant 16 : i32
      %mul3A_155 = arith.muli %and3A_153, %mul3A_154 : i32
      %get3A_156 = arith.index_cast %shift_right_logical3A_151 : i32 to index
      %get3A_157 = arith.index_cast %mul3A_155 : i32 to index
      %get3A_158 = tpu.vector_load %arg6[%get3A_156, %get3A_157] {strides = array<i32>} : memref<8x128xf32, #tpu.memory_space<vmem>>, vector<16xf32>,
      %lt3A_159 = arith.cmpi slt, %add3A_149, %shift_right_logical3A_28 : i32
      %eq3A_160 = arith.cmpi eq, %add3A_149, %shift_right_logical3A_28 : i32
      %lt3A_161 = vector.broadcast %and3A_29 : i32 to vector<16xi32>
      %lt3A_162 = arith.cmpi slt, %iota3A, %lt3A_161 : vector<16xi32>
      %and3A_163 = vector.broadcast %eq3A_160 : i1 to vector<16xi1>
      %and3A_164 = arith.andi %and3A_163, %lt3A_162 : vector<16xi1>
      %or3A_165 = vector.broadcast %lt3A_159 : i1 to vector<16xi1>
      %or3A_166 = arith.ori %or3A_165, %and3A_164 : vector<16xi1>
      %jit3A_167 = arith.constant 0xFF800000 : f32
      %broadcast_in_dim3A_168 = vector.broadcast %jit3A_167 : f32 to vector<16xf32>
      %select_n3A_169 = arith.select %or3A_166, %get3A_158, %broadcast_in_dim3A_168 : vector<16xi1>, vector<16xf32>
      %gt3A_170 = arith.cmpf ogt, %select_n3A_169, %select_n3A_145 : vector<16xf32>
      %broadcast_in_dim3A_171 = vector.broadcast %add3A_149 : i32 to vector<16xi32>
      %select_n3A_172 = arith.select %gt3A_170, %broadcast_in_dim3A_171, %select_n3A_144 : vector<16xi1>, vector<16xi32>
      %select_n3A_173 = arith.select %gt3A_170, %select_n3A_169, %select_n3A_145 : vector<16xi1>, vector<16xf32>
      %mul3A_174 = arith.constant 4 : i32
      %mul3A_175 = arith.muli %while3A_91, %mul3A_174 : i32
      %add3A_176 = arith.constant 3 : i32
      %add3A_177 = arith.addi %mul3A_175, %add3A_176 : i32
      %shift_right_logical3A_178 = arith.constant 3 : i32
      %shift_right_logical3A_179 = arith.shrui %add3A_177, %shift_right_logical3A_178 : i32
      %and3A_180 = arith.constant 7 : i32
      %and3A_181 = arith.andi %add3A_177, %and3A_180 : i32
      %mul3A_182 = arith.constant 16 : i32
      %mul3A_183 = arith.muli %and3A_181, %mul3A_182 : i32
      %get3A_184 = arith.index_cast %shift_right_logical3A_179 : i32 to index
      %get3A_185 = arith.index_cast %mul3A_183 : i32 to index
      %get3A_186 = tpu.vector_load %arg6[%get3A_184, %get3A_185] {strides = array<i32>} : memref<8x128xf32, #tpu.memory_space<vmem>>, vector<16xf32>,
      %lt3A_187 = arith.cmpi slt, %add3A_177, %shift_right_logical3A_28 : i32
      %eq3A_188 = arith.cmpi eq, %add3A_177, %shift_right_logical3A_28 : i32
      %lt3A_189 = vector.broadcast %and3A_29 : i32 to vector<16xi32>
      %lt3A_190 = arith.cmpi slt, %iota3A, %lt3A_189 : vector<16xi32>
      %and3A_191 = vector.broadcast %eq3A_188 : i1 to vector<16xi1>
      %and3A_192 = arith.andi %and3A_191, %lt3A_190 : vector<16xi1>
      %or3A_193 = vector.broadcast %lt3A_187 : i1 to vector<16xi1>
      %or3A_194 = arith.ori %or3A_193, %and3A_192 : vector<16xi1>
      %jit3A_195 = arith.constant 0xFF800000 : f32
      %broadcast_in_dim3A_196 = vector.broadcast %jit3A_195 : f32 to vector<16xf32>
      %select_n3A_197 = arith.select %or3A_194, %get3A_186, %broadcast_in_dim3A_196 : vector<16xi1>, vector<16xf32>
      %gt3A_198 = arith.cmpf ogt, %select_n3A_197, %select_n3A_173 : vector<16xf32>
      %broadcast_in_dim3A_199 = vector.broadcast %add3A_177 : i32 to vector<16xi32>
      %select_n3A_200 = arith.select %gt3A_198, %broadcast_in_dim3A_199, %select_n3A_172 : vector<16xi1>, vector<16xi32>
      %select_n3A_201 = arith.select %gt3A_198, %select_n3A_197, %select_n3A_173 : vector<16xi1>, vector<16xf32>
      scf.yield %select_n3A_201, %select_n3A_200 : vector<16xf32>, vector<16xi32>
    }
    %while3A_46 = arith.constant 1 : i32
    %while3A_47:2 = scf.for %while3A_91 = %while3A_43 to %while3A_39 step %while3A_46 iter_args(%while3A_92 = %while3A_45#0, %while3A_93 = %while3A_45#1) -> (vector<16xf32>, vector<16xi32>)  : i32 {
      %mul3A_94 = arith.constant 4 : i32
      %mul3A_95 = arith.muli %while3A_91, %mul3A_94 : i32
      %add3A_96 = arith.constant 0 : i32
      %add3A_97 = arith.addi %mul3A_95, %add3A_96 : i32
      %shift_right_logical3A_98 = arith.constant 3 : i32
      %shift_right_logical3A_99 = arith.shrui %add3A_97, %shift_right_logical3A_98 : i32
      %and3A_100 = arith.constant 7 : i32
      %and3A_101 = arith.andi %add3A_97, %and3A_100 : i32
      %mul3A_102 = arith.constant 16 : i32
      %mul3A_103 = arith.muli %and3A_101, %mul3A_102 : i32
      %get3A = arith.index_cast %shift_right_logical3A_99 : i32 to index
      %get3A_104 = arith.index_cast %mul3A_103 : i32 to index
      %get3A_105 = tpu.vector_load %arg6[%get3A, %get3A_104] {strides = array<i32>} : memref<8x128xf32, #tpu.memory_space<vmem>>, vector<16xf32>,
      %lt3A = arith.cmpi slt, %add3A_97, %shift_right_logical3A_28 : i32
      %eq3A_106 = arith.cmpi eq, %add3A_97, %shift_right_logical3A_28 : i32
      %lt3A_107 = vector.broadcast %and3A_29 : i32 to vector<16xi32>
      %lt3A_108 = arith.cmpi slt, %iota3A, %lt3A_107 : vector<16xi32>
      %and3A_109 = vector.broadcast %eq3A_106 : i1 to vector<16xi1>
      %and3A_110 = arith.andi %and3A_109, %lt3A_108 : vector<16xi1>
      %or3A = vector.broadcast %lt3A : i1 to vector<16xi1>
      %or3A_111 = arith.ori %or3A, %and3A_110 : vector<16xi1>
      %jit3A_112 = arith.constant 0xFF800000 : f32
      %broadcast_in_dim3A_113 = vector.broadcast %jit3A_112 : f32 to vector<16xf32>
      %select_n3A_114 = arith.select %or3A_111, %get3A_105, %broadcast_in_dim3A_113 : vector<16xi1>, vector<16xf32>
      %gt3A = arith.cmpf ogt, %select_n3A_114, %while3A_92 : vector<16xf32>
      %broadcast_in_dim3A_115 = vector.broadcast %add3A_97 : i32 to vector<16xi32>
      %select_n3A_116 = arith.select %gt3A, %broadcast_in_dim3A_115, %while3A_93 : vector<16xi1>, vector<16xi32>
      %select_n3A_117 = arith.select %gt3A, %select_n3A_114, %while3A_92 : vector<16xi1>, vector<16xf32>
      %mul3A_118 = arith.constant 4 : i32
      %mul3A_119 = arith.muli %while3A_91, %mul3A_118 : i32
      %add3A_120 = arith.constant 1 : i32
      %add3A_121 = arith.addi %mul3A_119, %add3A_120 : i32
      %shift_right_logical3A_122 = arith.constant 3 : i32
      %shift_right_logical3A_123 = arith.shrui %add3A_121, %shift_right_logical3A_122 : i32
      %and3A_124 = arith.constant 7 : i32
      %and3A_125 = arith.andi %add3A_121, %and3A_124 : i32
      %mul3A_126 = arith.constant 16 : i32
      %mul3A_127 = arith.muli %and3A_125, %mul3A_126 : i32
      %get3A_128 = arith.index_cast %shift_right_logical3A_123 : i32 to index
      %get3A_129 = arith.index_cast %mul3A_127 : i32 to index
      %get3A_130 = tpu.vector_load %arg6[%get3A_128, %get3A_129] {strides = array<i32>} : memref<8x128xf32, #tpu.memory_space<vmem>>, vector<16xf32>,
      %lt3A_131 = arith.cmpi slt, %add3A_121, %shift_right_logical3A_28 : i32
      %eq3A_132 = arith.cmpi eq, %add3A_121, %shift_right_logical3A_28 : i32
      %lt3A_133 = vector.broadcast %and3A_29 : i32 to vector<16xi32>
      %lt3A_134 = arith.cmpi slt, %iota3A, %lt3A_133 : vector<16xi32>
      %and3A_135 = vector.broadcast %eq3A_132 : i1 to vector<16xi1>
      %and3A_136 = arith.andi %and3A_135, %lt3A_134 : vector<16xi1>
      %or3A_137 = vector.broadcast %lt3A_131 : i1 to vector<16xi1>
      %or3A_138 = arith.ori %or3A_137, %and3A_136 : vector<16xi1>
      %jit3A_139 = arith.constant 0xFF800000 : f32
      %broadcast_in_dim3A_140 = vector.broadcast %jit3A_139 : f32 to vector<16xf32>
      %select_n3A_141 = arith.select %or3A_138, %get3A_130, %broadcast_in_dim3A_140 : vector<16xi1>, vector<16xf32>
      %gt3A_142 = arith.cmpf ogt, %select_n3A_141, %select_n3A_117 : vector<16xf32>
      %broadcast_in_dim3A_143 = vector.broadcast %add3A_121 : i32 to vector<16xi32>
      %select_n3A_144 = arith.select %gt3A_142, %broadcast_in_dim3A_143, %select_n3A_116 : vector<16xi1>, vector<16xi32>
      %select_n3A_145 = arith.select %gt3A_142, %select_n3A_141, %select_n3A_117 : vector<16xi1>, vector<16xf32>
      %mul3A_146 = arith.constant 4 : i32
      %mul3A_147 = arith.muli %while3A_91, %mul3A_146 : i32
      %add3A_148 = arith.constant 2 : i32
      %add3A_149 = arith.addi %mul3A_147, %add3A_148 : i32
      %shift_right_logical3A_150 = arith.constant 3 : i32
      %shift_right_logical3A_151 = arith.shrui %add3A_149, %shift_right_logical3A_150 : i32
      %and3A_152 = arith.constant 7 : i32
      %and3A_153 = arith.andi %add3A_149, %and3A_152 : i32
      %mul3A_154 = arith.constant 16 : i32
      %mul3A_155 = arith.muli %and3A_153, %mul3A_154 : i32
      %get3A_156 = arith.index_cast %shift_right_logical3A_151 : i32 to index
      %get3A_157 = arith.index_cast %mul3A_155 : i32 to index
      %get3A_158 = tpu.vector_load %arg6[%get3A_156, %get3A_157] {strides = array<i32>} : memref<8x128xf32, #tpu.memory_space<vmem>>, vector<16xf32>,
      %lt3A_159 = arith.cmpi slt, %add3A_149, %shift_right_logical3A_28 : i32
      %eq3A_160 = arith.cmpi eq, %add3A_149, %shift_right_logical3A_28 : i32
      %lt3A_161 = vector.broadcast %and3A_29 : i32 to vector<16xi32>
      %lt3A_162 = arith.cmpi slt, %iota3A, %lt3A_161 : vector<16xi32>
      %and3A_163 = vector.broadcast %eq3A_160 : i1 to vector<16xi1>
      %and3A_164 = arith.andi %and3A_163, %lt3A_162 : vector<16xi1>
      %or3A_165 = vector.broadcast %lt3A_159 : i1 to vector<16xi1>
      %or3A_166 = arith.ori %or3A_165, %and3A_164 : vector<16xi1>
      %jit3A_167 = arith.constant 0xFF800000 : f32
      %broadcast_in_dim3A_168 = vector.broadcast %jit3A_167 : f32 to vector<16xf32>
      %select_n3A_169 = arith.select %or3A_166, %get3A_158, %broadcast_in_dim3A_168 : vector<16xi1>, vector<16xf32>
      %gt3A_170 = arith.cmpf ogt, %select_n3A_169, %select_n3A_145 : vector<16xf32>
      %broadcast_in_dim3A_171 = vector.broadcast %add3A_149 : i32 to vector<16xi32>
      %select_n3A_172 = arith.select %gt3A_170, %broadcast_in_dim3A_171, %select_n3A_144 : vector<16xi1>, vector<16xi32>
      %select_n3A_173 = arith.select %gt3A_170, %select_n3A_169, %select_n3A_145 : vector<16xi1>, vector<16xf32>
      %mul3A_174 = arith.constant 4 : i32
      %mul3A_175 = arith.muli %while3A_91, %mul3A_174 : i32
      %add3A_176 = arith.constant 3 : i32
      %add3A_177 = arith.addi %mul3A_175, %add3A_176 : i32
      %shift_right_logical3A_178 = arith.constant 3 : i32
      %shift_right_logical3A_179 = arith.shrui %add3A_177, %shift_right_logical3A_178 : i32
      %and3A_180 = arith.constant 7 : i32
      %and3A_181 = arith.andi %add3A_177, %and3A_180 : i32
      %mul3A_182 = arith.constant 16 : i32
      %mul3A_183 = arith.muli %and3A_181, %mul3A_182 : i32
      %get3A_184 = arith.index_cast %shift_right_logical3A_179 : i32 to index
      %get3A_185 = arith.index_cast %mul3A_183 : i32 to index
      %get3A_186 = tpu.vector_load %arg6[%get3A_184, %get3A_185] {strides = array<i32>} : memref<8x128xf32, #tpu.memory_space<vmem>>, vector<16xf32>,
      %lt3A_187 = arith.cmpi slt, %add3A_177, %shift_right_logical3A_28 : i32
      %eq3A_188 = arith.cmpi eq, %add3A_177, %shift_right_logical3A_28 : i32
      %lt3A_189 = vector.broadcast %and3A_29 : i32 to vector<16xi32>
      %lt3A_190 = arith.cmpi slt, %iota3A, %lt3A_189 : vector<16xi32>
      %and3A_191 = vector.broadcast %eq3A_188 : i1 to vector<16xi1>
      %and3A_192 = arith.andi %and3A_191, %lt3A_190 : vector<16xi1>
      %or3A_193 = vector.broadcast %lt3A_187 : i1 to vector<16xi1>
      %or3A_194 = arith.ori %or3A_193, %and3A_192 : vector<16xi1>
      %jit3A_195 = arith.constant 0xFF800000 : f32
      %broadcast_in_dim3A_196 = vector.broadcast %jit3A_195 : f32 to vector<16xf32>
      %select_n3A_197 = arith.select %or3A_194, %get3A_186, %broadcast_in_dim3A_196 : vector<16xi1>, vector<16xf32>
      %gt3A_198 = arith.cmpf ogt, %select_n3A_197, %select_n3A_173 : vector<16xf32>
      %broadcast_in_dim3A_199 = vector.broadcast %add3A_177 : i32 to vector<16xi32>
      %select_n3A_200 = arith.select %gt3A_198, %broadcast_in_dim3A_199, %select_n3A_172 : vector<16xi1>, vector<16xi32>
      %select_n3A_201 = arith.select %gt3A_198, %select_n3A_197, %select_n3A_173 : vector<16xi1>, vector<16xf32>
      scf.yield %select_n3A_201, %select_n3A_200 : vector<16xf32>, vector<16xi32>
    }
    %reduce_max3A_48 = arith.constant true
    %reduce_max3A_49 = vector.broadcast %reduce_max3A_48 : i1 to vector<16xi1>
    %reduce_max3A_50 = tpu.scan <max>, %while3A_47#0 masked %reduce_max3A_49 : vector<16xf32>, vector<16xi1> -> vector<16xf32>
    %reduce_max3A_51 = vector.extract %reduce_max3A_50[15] : f32 from vector<16xf32>
    %eq3A_52 = vector.broadcast %reduce_max3A_51 : f32 to vector<16xf32>
    %eq3A_53 = arith.cmpf oeq, %while3A_47#0, %eq3A_52 : vector<16xf32>
    %mul3A_54 = arith.constant 16 : i32
    %mul3A_55 = vector.broadcast %mul3A_54 : i32 to vector<16xi32>
    %mul3A_56 = arith.muli %while3A_47#1, %mul3A_55 : vector<16xi32>
    %add3A_57 = arith.addi %mul3A_56, %iota3A : vector<16xi32>
    %jit3A_58 = arith.constant 1024 : i32
    %broadcast_in_dim3A_59 = vector.broadcast %jit3A_58 : i32 to vector<16xi32>
    %select_n3A_60 = arith.select %eq3A_53, %add3A_57, %broadcast_in_dim3A_59 : vector<16xi1>, vector<16xi32>
    %reduce_min3A_61 = arith.constant true
    %reduce_min3A_62 = vector.broadcast %reduce_min3A_61 : i1 to vector<16xi1>
    %reduce_min3A_63 = arith.constant -2147483648 : i32
    %reduce_min3A_64 = vector.broadcast %reduce_min3A_63 : i32 to vector<16xi32>
    %reduce_min3A_65 = arith.xori %select_n3A_60, %reduce_min3A_64 : vector<16xi32>
    %reduce_min3A_66 = tpu.scan <min>, %reduce_min3A_65 masked %reduce_min3A_62 : vector<16xi32>, vector<16xi1> -> vector<16xi32>
    %reduce_min3A_67 = arith.xori %reduce_min3A_66, %reduce_min3A_64 : vector<16xi32>
    %reduce_min3A_68 = vector.extract %reduce_min3A_67[15] : i32 from vector<16xi32>
    %eq3A_69 = arith.constant 0 : i32
    %eq3A_70 = vector.broadcast %eq3A_69 : i32 to vector<16xi32>
    %eq3A_71 = arith.cmpi eq, %iota3A, %eq3A_70 : vector<16xi32>
    %broadcast_in_dim3A_72 = vector.broadcast %reduce_min3A_68 : i32 to vector<16xi32>
    %broadcast_in_dim3A_73 = vector.broadcast %reduce_min3A_27 : i32 to vector<16xi32>
    %select_n3A_74 = arith.select %eq3A_71, %broadcast_in_dim3A_72, %broadcast_in_dim3A_73 : vector<16xi1>, vector<16xi32>
    %shift_right_logical3A_75 = arith.constant 7 : i32
    %shift_right_logical3A_76 = vector.broadcast %shift_right_logical3A_75 : i32 to vector<16xi32>
    %shift_right_logical3A_77 = arith.shrui %select_n3A_74, %shift_right_logical3A_76 : vector<16xi32>
    %and3A_78 = arith.constant 127 : i32
    %and3A_79 = vector.broadcast %and3A_78 : i32 to vector<16xi32>
    %and3A_80 = arith.andi %select_n3A_74, %and3A_79 : vector<16xi32>
    %gather3A = tpu.vector_load_idx %arg8[%shift_right_logical3A_77, %and3A_80] : memref<8x128xi32, #tpu.memory_space<vmem>>[vector<16xi32>, vector<16xi32>], vector<16xi32>,
    %convert_element_type3A = arith.sitofp %gather3A : vector<16xi32> to vector<16xf32>
    %eq3A_81 = arith.constant 1 : i32
    %eq3A_82 = vector.broadcast %eq3A_81 : i32 to vector<16xi32>
    %eq3A_83 = arith.cmpi eq, %iota3A, %eq3A_82 : vector<16xi32>
    %jit3A_84 = arith.constant 1.000000e+00 : f32
    %jit3A_85 = arith.constant 0.000000e+00 : f32
    %broadcast_in_dim3A_86 = vector.broadcast %jit3A_84 : f32 to vector<16xf32>
    %broadcast_in_dim3A_87 = vector.broadcast %jit3A_85 : f32 to vector<16xf32>
    %select_n3A_88 = arith.select %eq3A_83, %broadcast_in_dim3A_86, %broadcast_in_dim3A_87 : vector<16xi1>, vector<16xf32>
    %add3A_89 = arith.addf %convert_element_type3A, %select_n3A_88 : vector<16xf32>
    %swap3A = arith.constant 0 : index
    %swap3A_90 = tpu.vector_load %arg9[%swap3A] {strides = array<i32>} : memref<16xf32, #tpu.memory_space<vmem>>, vector<16xf32>,
    tpu.vector_store %arg9[%swap3A], %add3A_89 {strides = array<i32>} : memref<16xf32, #tpu.memory_space<vmem>>, vector<16xf32>,
    %run_scoped3A = arith.constant 0 : i32
    "tpu.region"() ({
      %run_scoped3A_91 = tpu.sem_alloc : memref<!tpu.dma_semaphore, #tpu.memory_space<semaphore_mem>>
      %dma_start3A = arith.constant 0 : i32
      %dma_start3A_92 = tpu.memref_slice %arg5[%arg1, %run_scoped3A, %dma_start3A] : memref<16x8x128xf32, #tpu.memory_space<hbm>> -> memref<1x1x16xf32, #tpu.memory_space<hbm>>
      %dma_start3A_93 = tpu.memref_squeeze %dma_start3A_92 : memref<1x1x16xf32, #tpu.memory_space<hbm>> -> memref<16xf32, #tpu.memory_space<hbm>>
      %dma_start3A_94 = arith.constant 0 : i32
      %dma_start3A_95 = tpu.memref_slice %arg5[%arg1, %run_scoped3A, %dma_start3A_94] : memref<16x8x128xf32, #tpu.memory_space<hbm>> -> memref<1x1x16xf32, #tpu.memory_space<hbm>>
      %dma_start3A_96 = tpu.memref_squeeze %dma_start3A_95 : memref<1x1x16xf32, #tpu.memory_space<hbm>> -> memref<16xf32, #tpu.memory_space<hbm>>
      tpu.enqueue_dma source(%arg9 : memref<16xf32, #tpu.memory_space<vmem>>) target(%dma_start3A_96 : memref<16xf32, #tpu.memory_space<hbm>>) target_semaphore(%run_scoped3A_91 : memref<!tpu.dma_semaphore, #tpu.memory_space<semaphore_mem>>)
      %dma_wait3A = arith.constant 0 : i32
      %dma_wait3A_97 = tpu.memref_slice %arg5[%arg1, %run_scoped3A, %dma_wait3A] : memref<16x8x128xf32, #tpu.memory_space<hbm>> -> memref<1x1x16xf32, #tpu.memory_space<hbm>>
      %dma_wait3A_98 = tpu.memref_squeeze %dma_wait3A_97 : memref<1x1x16xf32, #tpu.memory_space<hbm>> -> memref<16xf32, #tpu.memory_space<hbm>>
      %dma_wait3A_99 = arith.constant 0 : i32
      %dma_wait3A_100 = tpu.memref_slice %arg5[%arg1, %run_scoped3A, %dma_wait3A_99] : memref<16x8x128xf32, #tpu.memory_space<hbm>> -> memref<1x1x16xf32, #tpu.memory_space<hbm>>
      %dma_wait3A_101 = tpu.memref_squeeze %dma_wait3A_100 : memref<1x1x16xf32, #tpu.memory_space<hbm>> -> memref<16xf32, #tpu.memory_space<hbm>>
      tpu.wait_dma2 semaphore(%run_scoped3A_91 : memref<!tpu.dma_semaphore, #tpu.memory_space<semaphore_mem>>) src(%arg9 : memref<16xf32, #tpu.memory_space<vmem>>) dst(%dma_wait3A_101 : memref<16xf32, #tpu.memory_space<hbm>>)
      tpu.yield
    }) : () -> ()
    return
  }
}

</mosaic_0001>

<sc_bundles>
// kernel: _post_process.3.cloned.1.call-start
scs
__scs_entry_jumppad:
0x0: {  	(pc) =	sbr.rel $0x88, $3  }
0x1: {  	(tag) =	ssettag $0x0;
	lr =	simm.s32 $0x1  }
0x2: {  	[smem:$0x3F9E] =	sst lr;
	_ =	strace $0xD0000000  }
0x3: {  	_ = 	snop  }
0x4: {  	_ = 	snop  }
0x5: {  	_ = 	snop  }
0x6: {  	_ = 	snop  }
0x7: {  	_ = 	snop  }
__scs_overlays_trampoline_lowered:
0x8: {  	[smem:$0x3FAD] =	sst s0  }
0x9: {  	[smem:$0x3FAE] =	sst s1  }
0xa: {  	[smem:$0x3FAF] =	sst s2  }
0xb: {  	[smem:$0x3FB0] =	sst s3  }
0xc: {  	[smem:$0x3FB1] =	sst s4  }
0xd: {  	[smem:$0x3FB2] =	sst s5  }
0xe: {  	[smem:$0x3FB3] =	sst s6  }
0xf: {  	[smem:$0x3FB4] =	sst s7  }
0x10: {  	[smem:$0x3FB5] =	sst s8  }
0x11: {  	[smem:$0x3FB6] =	sst s9;
	s0 =	simm.s32 @!p0 $0x0  }
0x12: {  	s1 =	sld [smem:$0x3F9C];
	s0 =	simm.s32 @p0 $0x1  }
0x13: {  	[smem:$0x3FB7] =	sst s0;
	s0 =	simm.s32 @!p1 $0x0  }
0x14: {  	s2 =	sld [smem:$0x3F9B];
	s0 =	simm.s32 @p1 $0x1  }
0x15: {  	[smem:$0x3FB8] =	sst s0;
	s0 =	simm.s32 @!p2 $0x0  }
0x16: {  	s3 =	sld [smem:$0x3FDB];
	s0 =	simm.s32 @p2 $0x1  }
0x17: {  	s4 =	simm.s32 $0x1BF5;
	[smem:$0x3FBA] =	sst s0  }
0x18: {  	s0 =	sld [smem:$0x3F9D];
	_ =	swait.ge [sflag:s4], $0x0  }
0x19: {  	s7 =	sld [smem:$0x3F9E]  }
0x1a: {  	s8 =	sadd.s32 $0xFFFFE003, lr  }
0x1b: {  	s9 =	sadd.s32 $0xFFFFFEF7, lr;
	s5 =	simm.s32 $0xFFFFFFFF;
	p2 =	slt.u32 s8, $0xFFFFF086  }
0x1c: {  	p1 =	slt.u32 s9, $0xF7A;
	s5 =	simm.s32 @!p2 $0x0  }
0x1d: {  	s5 =	simm.s32 @p1 $0x1;
	p0 =	seq.s32 s7, s2  }
0x1e: {  	s7 =	smul.u32 @!p0 $0xF7A, s2;
	p2 =	seq.s32 @!p0 s5, $0x0  }
0x1f: {  	s9 =	smul.u32 $0xF7A, s1;
	s8 =	simm.s32 @!p0 $0x1BF5;
	p2 =	por !p2, p0  }
0x20: {  	[sflag:s8] =	ssyncset.s32 @!p0 $0xFFFFF086;
	s6 =	sadd.s32 @!p0 s3, s7;
	s7 =	simm.s32 @!p0 $0x108  }
0x21: {  	s3 =	sadd.s32 s3, s9;
	s6 =	sadd.s32 @!p0 $0x88, s6;
	s7 =	simm.s32 @p2 $0x1082  }
0x22: {  	[simem:s7], [sflag:s8] =	dma.local @!p0 [hbm:s6], $0xF7A  }
0x23: {  	s9 =	sor.u32 $0xD0000000, s2;
	s6 =	simm.s32 $0x108;
	_ =	swait.ge @!p0 [sflag:s8], $0x0  }
0x24: {  	s3 =	sadd.s32 $0x88, s3;
	s6 =	simm.s32 @!p1 $0x1082;
	[sflag:s4] =	ssyncset.s32 $0xFFFFF086  }
0x25: {  	[simem:s6], [sflag:s4] =	dma.local [hbm:s3], $0xF7A  }
0x26: {  	[smem:$0x3F9E] =	sst s1;
	(tag) =	ssettag s2;
	_ =	strace s9  }
0x27: {  	s1 =	sld [smem:$0x3FAE]  }
0x28: {  	s2 =	sld [smem:$0x3FAF]  }
0x29: {  	s4 =	sld [smem:$0x3FB1]  }
0x2a: {  	p0 =	seq.s32 s5, $0x0;
	s5 =	sld [smem:$0x3FB2]  }
0x2b: {  	s6 =	sld [smem:$0x3FB3]  }
0x2c: {  	s7 =	sld [smem:$0x3FB4]  }
0x2d: {  	s3 =	simm.s32 $0x108;
	s8 =	sld [smem:$0x3FB5]  }
0x2e: {  	s3 =	simm.s32 @!p0 $0x1082;
	s9 =	sld [smem:$0x3FB6]  }
0x2f: {  	lr =	sadd.s32 s0, s3;
	s0 =	sld [smem:$0x3FAD]  }
0x30: {  	s3 =	sld [smem:$0x3FB0]  }
0x31: {  	[smem:$0x3FB9] =	sst s10  }
0x32: {  	s10 =	sld [smem:$0x3FB7];
	_ =	sdelay $0x3  }
0x33: {  	p0 =	seq.s32 s10, $0x1;
	s10 =	sld [smem:$0x3FB9];
	_ =	sdelay $0x3  }
0x34: {  	[smem:$0x3FB9] =	sst s10  }
0x35: {  	s10 =	sld [smem:$0x3FB8];
	_ =	sdelay $0x3  }
0x36: {  	p1 =	seq.s32 s10, $0x1;
	s10 =	sld [smem:$0x3FB9];
	_ =	sdelay $0x3  }
0x37: {  	[smem:$0x3FB9] =	sst s10  }
0x38: {  	s10 =	sld [smem:$0x3FBA]  }
0x39: {  	_ = 	snop;
	(pc) =	sbr.ind lr, $3  }
0x3a: {  	_ = 	snop  }
0x3b: {  	_ = 	snop  }
0x3c: {  	p2 =	seq.s32 s10, $0x1;
	s10 =	sld [smem:$0x3FB9]  }
0x3d: {  	_ =	shalt  }
0x3e: {  	_ =	shalt  }
0x3f: {  	_ =	shalt  }
0x40: {  	_ =	shalt  }
0x41: {  	_ =	shalt  }
0x42: {  	_ =	shalt  }
0x43: {  	_ =	shalt  }
0x44: {  	_ =	shalt  }
0x45: {  	_ =	shalt  }
0x46: {  	_ =	shalt  }
0x47: {  	_ =	shalt  }
0x48: {  	_ =	shalt  }
0x49: {  	_ =	shalt  }
0x4a: {  	_ =	shalt  }
0x4b: {  	_ =	shalt  }
0x4c: {  	_ =	shalt  }
0x4d: {  	_ =	shalt  }
0x4e: {  	_ =	shalt  }
0x4f: {  	_ =	shalt  }
0x50: {  	_ =	shalt  }
0x51: {  	_ =	shalt  }
0x52: {  	_ =	shalt  }
0x53: {  	_ =	shalt  }
0x54: {  	_ =	shalt  }
0x55: {  	_ =	shalt  }
0x56: {  	_ =	shalt  }
0x57: {  	_ =	shalt  }
0x58: {  	_ =	shalt  }
0x59: {  	_ =	shalt  }
0x5a: {  	_ =	shalt  }
0x5b: {  	_ =	shalt  }
0x5c: {  	_ =	shalt  }
0x5d: {  	_ =	shalt  }
0x5e: {  	_ =	shalt  }
0x5f: {  	_ =	shalt  }
0x60: {  	_ =	shalt  }
0x61: {  	_ =	shalt  }
0x62: {  	_ =	shalt  }
0x63: {  	_ =	shalt  }
0x64: {  	_ =	shalt  }
0x65: {  	_ =	shalt  }
0x66: {  	_ =	shalt  }
0x67: {  	_ =	shalt  }
0x68: {  	_ =	shalt  }
0x69: {  	_ =	shalt  }
0x6a: {  	_ =	shalt  }
0x6b: {  	_ =	shalt  }
0x6c: {  	_ =	shalt  }
0x6d: {  	_ =	shalt  }
0x6e: {  	_ =	shalt  }
0x6f: {  	_ =	shalt  }
0x70: {  	_ =	shalt  }
0x71: {  	_ =	shalt  }
0x72: {  	_ =	shalt  }
0x73: {  	_ =	shalt  }
0x74: {  	_ =	shalt  }
0x75: {  	_ =	shalt  }
0x76: {  	_ =	shalt  }
0x77: {  	_ =	shalt  }
0x78: {  	_ =	shalt  }
0x79: {  	_ =	shalt  }
0x7a: {  	_ =	shalt  }
0x7b: {  	_ =	shalt  }
0x7c: {  	_ =	shalt  }
0x7d: {  	_ =	shalt  }
0x7e: {  	_ =	shalt  }
0x7f: {  	_ =	shalt  }
0x80: {  	_ =	shalt  }
0x81: {  	_ =	shalt  }
0x82: {  	_ =	shalt  }
0x83: {  	_ =	shalt  }
0x84: {  	_ =	shalt  }
0x85: {  	_ =	shalt  }
0x86: {  	_ =	shalt  }
0x87: {  	_ =	shalt  }
.Lfunc_end0:
.L_simem_size_0:
called_computation_lowered:
.L_overlay_start_0:
0x88: {  	s0 =	sld [smem:$0x3FD9]  }
0x89: {  	s1 =	sld [smem:$0x3FFE];
	_ =	sdelay $0x3  }
0x8a: {  	s0 =	sadd.s32 s1, s0  }
0x8b: {  	[smem:$0x3FC5] =	sst s0  }
0x8c: {  	_ = 	snop  }
0x8d: {  	s0 =	sld [smem:$0x3FC9]  }
0x8e: {  	s16 =	sld [smem:$0x3FC8]  }
0x8f: {  	s2 =	sld [smem:$0x3FC7];
	(tm) =	ssettm $0x1  }
0x90: {  	s3 =	sld [smem:$0x3FFB];
	_ =	sdelay $0x3  }
0x91: {  	_ =	strace s3  }
0x92: {  	s3 =	sld [smem:$0x3FFC];
	_ =	sdelay $0x3  }
0x93: {  	_ =	strace s3  }
0x94: {  	s3 =	sld [smem:$0x3FFD];
	_ =	sdelay $0x3  }
0x95: {  	_ =	strace s3  }
0x96: {  	_ =	strace $0x8FFFFFFF  }
0x97: {  	s17 =	sld [smem:$0x3FDB];
	_ =	sdelay $0x1  }
0x98: {  	s4 =	simm.s32 $_scs_section_size  }
0x99: {  	s5 =	simm.s32 $_size__tile_overlayer_lowered;
	s6 =	simm.s32 $_tile_overlayer_lowered  }
0x9a: {  	s20 =	simm.s32 $0x1BFF;
	s19 =	sshll.u32 s6, $0x1;
	s3 =	sadd.s32 s4, s17  }
0x9b: {  	s7 =	simm.s32 $0x0;
	s18 =	sshll.u32 s5, $0x1;
	s5 =	sadd.s32 s19, s3  }
0x9c: {  	[timem:s7], [sflag:s20] =	dma.local [hbm:s5], s18  }
0x9d: {  	_ =	swait.ge [sflag:s20], s18  }
0x9e: {  	s4 =	ssub.s32 $0x0, s18;
	[sflag:s20] =	ssyncset.done $0x0  }
0x9f: {  	[sflag:s20] =	ssyncadd.s32 s4;
	_ =	sdelay $0x1  }
0xa0: {  	s21 =	simm.s32 $0x1B8B  }
0xa1: {  	_ =	swait.ge [sflag:s21], $0x1  }
0xa2: {  	[sflag:s21] =	ssyncset.done $0x0  }
0xa3: {  	s23 =	simm.s32 $0x1B8E;
	s22 =	sld [smem:$0x3FFE];
	[sflag:s21] =	ssyncadd.s32 $0xFFFFFFFF  }
0xa4: {  	s24 =	simm.s32 $execute0_lowered;
	[smem:$0x3FD2] =	sst s23  }
0xa5: {  	s5 =	sshll.u32 s24, $0x1;
	_ =	strace $0x80000046;
	[dreg:$0x1] =	wrdreg $0xFFFFFFFF  }
0xa6: {  	s25 =	simm.s32 $_size_execute0_lowered;
	s3 =	sadd.s32 s3, s5;
	[dreg:$0x0] =	wrdreg $0x0  }
0xa7: {  	s5 =	sshll.u32 s25, $0x1;
	[dreg:$0x2] =	wrdreg s3  }
0xa8: {  	[dreg:$0x3] =	wrdreg s5  }
0xa9: {  	[dreg:$0x4] =	wrdreg $0xC0  }
0xaa: {  	_ =	task [dreg:s7], $0x5FFFF  }
0xab: {  	[dreg:$0x1] =	wrdreg $0xFFFFFFFF  }
0xac: {  	[dreg:$0x0] =	wrdreg $0x60  }
0xad: {  	[dreg:$0x2] =	wrdreg s0  }
0xae: {  	[dreg:$0x3] =	wrdreg s16  }
0xaf: {  	[dreg:$0x4] =	wrdreg s2  }
0xb0: {  	[dreg:$0x5] =	wrdreg s22  }
0xb1: {  	[dreg:$0x6] =	wrdreg $0x9  }
0xb2: {  	_ =	task.clear_ibuf [dreg:s7], $0x7FFFF;
	_ =	strace $0x90000046  }
0xb3: {  	s26 =	simm.s32 $0x9;
	_ =	strace $0x80000048  }
0xb4: {  	_ =	swait.ge [sflag:s26], $0x1  }
0xb5: {  	[sflag:s26] =	ssyncadd.s32 $0xFFFFFFFF  }
0xb6: {  	_ =	strace $0x90000048  }
0xb7: {  	_ =	sfence  }
0xb8: {  	s28 =	sld [smem:$0x0];
	_ =	sdelay $0x1  }
0xb9: {  	s29 =	srdreg.scid  }
0xba: {  	s30 =	sshll.u32 s29, $0xD;
	s31 =	sshrl.u32 s29, $0x2  }
0xbb: {  	s1 =	sand.u32 $0x1, s29;
	s2 =	sand.u32 $0x4000, s30;
	s0 =	sadd.s32 s31, s28  }
0xbc: {  	s1 =	sor.u32 s2, s1;
	s0 =	sshll.u32 s0, $0x11  }
0xbd: {  	s0 =	sor.u32 s0, s1  }
0xbe: {  	s0 =	sadd.s32 $0x8F2B, s0  }
0xbf: {  	[sflag:s0] =	ssyncadd.remote.s32 $0x1  }
0xc0: {  	_ =	sfence.sel $0xFFFF  }
0xc1: {  	[dreg:$0x0] =	wrdreg $0xFFFFFFFF;
	(pc) =	sbr.abs _section_cstart, $3  }
0xc2: {  	[dreg:$0x1] =	wrdreg $0xFFFFFFFF  }
0xc3: {  	_ =	task.clear_ibuf [dreg:s7], $0x2FFFF;
	_ =	strace $0x9FFFFFFF  }
0xc4: {  	(tm) =	ssettm $0x7FFFFFFF  }
0xc5: {  	_ =	shalt  }
tec
execute0_lowered:
.L_overlay_start_1:
0x0: {  	(tag) =	ssettag $0x1  }
0x1: {  	s4 =	rddreg [dreg:$0x0]  }
0x2: {  	s5 =	rddreg [dreg:$0x1]  }
0x3: {  	s6 =	rddreg [dreg:$0x2]  }
0x4: {  	s3 =	rddreg [dreg:$0x3]  }
0x5: {  	s0 =	rddreg [dreg:$0x4];
	s7 =	simm.s32 $0x0;
	s1 =	stileid.u32  }
0x6: {  	[smem:$0x7FF] =	sst s7;
	s2 =	sshll.u32 s1, $0x7  }
0x7: {  	s8 =	simm.s32 $0x1;
	_ =	strace $0x80000047;
	s4 =	sadd.s32 s4, s2  }
0x8: {  	[tilespmem:s7], [sflag:$0x1] =	stream.linear.gather [hbm4b:s4+s7], $0x400, $0x38;
	[tilespmem:$0xC80] =	vst v63  }
0x9: {  	_ =	swait.ge [sflag:s8], $0x400  }
0xa: {  	[sflag:s8] =	ssyncset.done $0x0  }
0xb: {  	s13 =	simm.s32 $0x400;
	s5 =	sadd.s32 s5, s2;
	[sflag:s8] =	ssyncadd.s32 $0xFFFFFC00  }
0xc: {  	[tilespmem:s13], [sflag:$0x1] =	stream.linear.gather [hbm4b:s5+s7], $0x400, $0x38;
	[tilespmem:$0xC80] =	vst v63  }
0xd: {  	_ =	swait.ge [sflag:s8], $0x400  }
0xe: {  	[sflag:s8] =	ssyncset.done $0x0  }
0xf: {  	s15 =	simm.s32 $0x800;
	s14 =	sadd.s32 s6, s2;
	[sflag:s8] =	ssyncadd.s32 $0xFFFFFC00  }
0x10: {  	[tilespmem:s15], [sflag:$0x1] =	stream.linear.gather [hbm4b:s14+s7], $0x400, $0x38;
	[tilespmem:$0xC80] =	vst v63  }
0x11: {  	_ =	swait.ge [sflag:s8], $0x400  }
0x12: {  	s16 =	simm.s32 $0x10;
	[sflag:s8] =	ssyncset.done $0x0  }
0x13: {  	s17 =	sand.u32 $0x380, s7;
	s5 =	sand.u32 $0x50, s16;
	[sflag:s8] =	ssyncadd.s32 $0xFFFFFC00  }
0x14: {  	s18 =	simm.s32 $0x20;
	s5 =	sor.u32 s17, s5;
	v0 =	vld [tilespmem:s7+$0x0]  }
0x15: {  	s19 =	simm.s32 $0x30;
	v1 =	vld [tilespmem:s5+$0x0];
	s7 =	sand.u32 $0x60, s18  }
0x16: {  	s8 =	sand.u32 $0x70, s19;
	s10 =	sor.u32 s17, s7  }
0x17: {  	s6 =	sor.u32 s17, s8;
	v2 =	vld [tilespmem:s10+$0x0]  }
0x18: {  	v4 =	vld [tilespmem:s6+$0x0]  }
0x19: {  	v3 =	vimm.s32 $0xEDCBA987;
	(xrf0) =	vmax.scan.msk.f32 $0xffff, v0  }
0x1a: {  	v3 =	vunpack.c.l.s4.s8 v3;
	v0 =	vimm.s32 $0x65432100;
	(xrf0) =	vmax.scan.msk.f32 $0xffff, v1  }
0x1b: {  	v0 =	vunpack.c.l.s4.s8 v0  }
0x1c: {  	s20 =	simm.s32 $0x40;
	v1 =	vunpack.c.0.s8.s32 v3;
	(xrf0) =	vmax.scan.msk.f32 $0xffff, v2  }
0x1d: {  	s21 =	simm.s32 $0x50;
	v3 =	vld [tilespmem:s20+$0x0];
	v0 =	vunpack.c.0.s8.s32 v0;
	(xrf0) =	vmax.scan.msk.f32 $0xffff, v4  }
0x1e: {  	s11 =	sand.u32 $0x380, s20;
	s22 =	sand.u32 $0x50, s21;
	v1 =	vand.u32 $0xF, v1  }
0x1f: {  	s9 =	simm.s32 $0x60;
	s7 =	sor.u32 s11, s22;
	v0 =	vcombine.low v0, v1;
	v4, _, _ =	vpop (xrf0)  }
0x20: {  	v9 =	vimm.f32 $-Inf;
	s23 =	sand.u32 $0x60, s9;
	v2 =	vld [tilespmem:s7+$0x0];
	v6, _, _ =	vpop (xrf0);
	v7 =	vbroadcast v4, $0xF  }
0x21: {  	s24 =	simm.s32 $0x70;
	s8 =	sor.u32 s11, s23;
	v1 =	vlaneseq.u32;
	v8 =	vperm.xlane v6, v0;
	v6 =	vbroadcast v6, $0xF  }
0x22: {  	s9 =	sand.u32 $0x70, s24;
	v5 =	vld [tilespmem:s8+$0x0];
	vm0 =	veq.s32 v1, $0x0;
	(xrf0) =	vmax.scan.msk.f32 $0xffff, v3;
	v11, _, _ =	vpop (xrf0);
	v7 =	vmax.f32 v9, v7  }
0x23: {  	s9 =	sor.u32 s11, s9;
	v14 =	vld [tilespmem:s13+$0x0];
	v4 =	vperm.xlane v4, v0;
	v13, _, _ =	vpop (xrf0);
	v8 =	vsel vm0, $0xFF800000, v8;
	v6 =	vmax.f32 v7, v6  }
0x24: {  	v3 =	vld [tilespmem:s9+$0x0];
	v8 =	vmax.f32 v8, v7;
	v7 =	vbroadcast v13, $0xF;
	v13 =	vperm.xlane v13, v0  }
0x25: {  	v15 =	vld [tilespmem:s5+$0x400];
	(xrf0) =	vmax.scan.msk.f32 $0xffff, v2;
	v2 =	vbroadcast v11, $0xF;
	v11 =	vperm.xlane v11, v0  }
0x26: {  	v12 =	vld [tilespmem:s6+$0x400]  }
0x27: {  	(xrf0) =	vmax.scan.msk.f32 $0xffff, v5;
	v5 =	vld [tilespmem:s10+$0x400];
	v4 =	vsel vm0, $0xFF800000, v4;
	v11 =	vsel vm0, $0xFF800000, v11  }
0x28: {  	s25 =	simm.s32 $0x80;
	v2 =	vmax.f32 v6, v2;
	v6 =	vmax.f32 v11, v6;
	v11 =	vsel vm0, $0xFF800000, v13;
	v13, _, _ =	vpop (xrf0)  }
0x29: {  	s26 =	simm.s32 $0x90;
	(xrf0) =	vmax.scan.msk.f32 $0xffff, v3;
	v3 =	vmax.f32 v2, v7;
	v7 =	vld [tilespmem:s25+$0x0];
	v2 =	vmax.f32 v11, v2;
	v11 =	vbroadcast v13, $0xF  }
0x2a: {  	s28 =	simm.s32 $0xA0;
	s4 =	sand.u32 $0x380, s25;
	s5 =	sand.u32 $0x50, s26;
	v4 =	vmax.f32 v4, v9  }
0x2b: {  	v10 =	vimm.s32 $0x0;
	s29 =	simm.s32 $0xB0;
	s5 =	sor.u32 s4, s5;
	s6 =	sand.u32 $0x60, s28;
	v14 =	vadd.f32 v4, v14;
	v2 =	vadd.f32 v2, v12;
	v12, _, _ =	vpop (xrf0)  }
0x2c: {  	v17 =	vld [tilespmem:s5+$0x0];
	s6 =	sor.u32 s4, s6;
	s10 =	sand.u32 $0x70, s29;
	v15 =	vadd.f32 v8, v15;
	v16 =	vadd.f32 v6, v5;
	v6 =	vperm.xlane v12, v0  }
0x2d: {  	v19 =	vld [tilespmem:s6+$0x0];
	s4 =	sor.u32 s4, s10;
	vm1 =	vgt.f32 v14, v9;
	v12 =	vbroadcast v12, $0xF;
	v5 =	vmax.f32 v3, v11;
	v11, _, _ =	vpop (xrf0)  }
0x2e: {  	v20 =	vld [tilespmem:s4+$0x0];
	v14 =	vsel vm1, v14, v9;
	v4 =	vsel vm0, $0xFF800000, v6;
	(xrf0) =	vmax.scan.msk.f32 $0xffff, v7;
	v6 =	vperm.xlane v11, v0  }
0x2f: {  	s30 =	simm.s32 $0x0;
	v4 =	vmax.f32 v4, v5;
	v5 =	vmax.f32 v5, v12;
	v18 =	vbroadcast v11, $0xF  }
0x30: {  	v7, _, _ =	vpop (xrf0);
	v11 =	vsel vm1, s30, v10;
	v10 =	vld [tilespmem:s9+$0x400];
	vm1 =	vgt.f32 v15, v14;
	v6 =	vsel vm0, $0xFF800000, v6  }
0x31: {  	(xrf0) =	vmax.scan.msk.f32 $0xffff, v17;
	v12 =	vbroadcast v7, $0xF;
	v8 =	vmax.f32 v6, v5;
	v6 =	vperm.xlane v7, v0  }
0x32: {  	s31 =	simm.s32 $0x1;
	v9 =	vld [tilespmem:s8+$0x400];
	s9 =	simm.s32 $0x440;
	v63 =	vsel vm1, v15, v14;
	(xrf0) =	vmax.scan.msk.f32 $0xffff, v19;
	v14 =	vperm.xlane v13, v0;
	v17 =	vmax.f32 v5, v18  }
0x33: {  	s12 =	simm.s32 $0x2;
	s3 =	sadd.s32 $0x400, s3;
	s11 =	simm.s32 $0xC0;
	(xrf0) =	vmax.scan.msk.f32 $0xffff, v20;
	v7 =	vsel vm1, s31, v11;
	v11 =	vld [tilespmem:s9+$0x0];
	vm1 =	vgt.f32 v16, v63;
	v15 =	vsel vm0, $0xFF800000, v6  }
0x34: {  	s10 =	simm.s32 $0xC0;
	s8 =	simm.s32 $0x3;
	v13 =	vsel vm1, v16, v63;
	v6 =	vmax.f32 v17, v12;
	v5, _, _ =	vpop (xrf0);
	v12 =	vld [tilespmem:s7+$0x400];
	s7 =	simm.s32 $0x7;
	v15 =	vmax.f32 v15, v17  }
.LBB2_1:
0x35: {  	v16 =	vld [tilespmem:s11+$0x0];
	s13 =	sadd.s32 $0x10, s10;
	s14 =	sadd.s32 $0x20, s10;
	s15 =	sadd.s32 $0x30, s10;
	v10 =	vadd.f32 v15, v10;
	v7 =	vsel vm1, s12, v7;
	vm1 =	vgt.f32 v2, v13  }
0x36: {  	s12 =	sand.u32 $0x380, s10;
	v15 =	vbroadcast v5, $0xF;
	s13 =	sand.u32 $0x50, s13;
	s15 =	sand.u32 $0x70, s15;
	v19 =	vsel vm0, $0xFF800000, v14;
	v7 =	vsel vm1, s8, v7  }
0x37: {  	s8 =	sor.u32 s12, s13;
	s13 =	sand.u32 $0x60, s14;
	s14 =	sor.u32 s12, s15;
	v17, _, _ =	vpop (xrf0);
	v3 =	vmax.f32 v19, v3;
	v18 =	vadd.f32 v8, v9;
	v8 =	vsel vm1, v2, v13  }
0x38: {  	p0 =	sne.s32 s10, $0x3C0;
	s10 =	sadd.s32 $0x40, s10;
	v13 =	vmax.f32 v6, v15;
	v9 =	vld [tilespmem:s8+$0x0];
	s12 =	sor.u32 s12, s13;
	v21 =	vperm.xlane v17, v0;
	v14, _, _ =	vpop (xrf0);
	v11 =	vadd.f32 v3, v11  }
0x39: {  	v22 =	vbroadcast v17, $0xF;
	s13 =	smov.u32 s5;
	s5 =	smov.u32 s8;
	s8 =	smov.u32 s7;
	v15 =	vld [tilespmem:s12+$0x0];
	v17 =	vbroadcast v14, $0xF;
	v19, _, _ =	vpop (xrf0);
	v12 =	vadd.f32 v4, v12  }
0x3a: {  	s15 =	sadd.s32 $0xFFFFFFFD, s7;
	v2 =	vmovc v10;
	v14 =	vperm.xlane v14, v0;
	v20 =	vld [tilespmem:s14+$0x0];
	(xrf0) =	vmax.scan.msk.f32 $0xffff, v16;
	v4 =	vsel vm0, $0xFF800000, v21;
	vm1 =	vgt.f32 v11, v8  }
0x3b: {  	v3 =	vmovc v6;
	v4 =	vmax.f32 v4, v13;
	v13 =	vmax.f32 v13, v22;
	v7 =	vsel vm1, s15, v7  }
.Ltmp0:
0x3c: {  	v6 =	vsel vm0, $0xFF800000, v14;
	v14 =	vbroadcast v19, $0xF;
	v11 =	vsel vm1, v11, v8;
	v10 =	vld [tilespmem:s4+$0x400];
	s4 =	smov.u32 s14;
	(pc) =	sbr.rel @p0 .LBB2_1-.Ltmp0, $4  }
0x3d: {  	v8 =	vmax.f32 v6, v13;
	v6 =	vperm.xlane v19, v0;
	s14 =	sadd.s32 $0xFFFFFFFE, s7;
	vm1 =	vgt.f32 v12, v11;
	(xrf0) =	vmax.scan.msk.f32 $0xffff, v9  }
0x3e: {  	s9 =	sadd.s32 $0x40, s9;
	v13 =	vmax.f32 v13, v17;
	v7 =	vsel vm1, s14, v7;
	v16 =	vsel vm1, v12, v11;
	(xrf0) =	vmax.scan.msk.f32 $0xffff, v15;
	v9 =	vld [tilespmem:s6+$0x400];
	s6 =	smov.u32 s12  }
0x3f: {  	v15 =	vsel vm0, $0xFF800000, v6;
	v6 =	vmax.f32 v13, v14;
	vm1 =	vgt.f32 v18, v16;
	(xrf0) =	vmax.scan.msk.f32 $0xffff, v20;
	v11 =	vld [tilespmem:s9+$0x0]  }
0x40: {  	s11 =	sadd.s32 $0x40, s11;
	s7 =	sadd.s32 $0x4, s7;
	v14 =	vperm.xlane v5, v0;
	s12 =	sadd.s32 $0xFFFFFFFF, s8;
	v15 =	vmax.f32 v15, v13;
	v13 =	vsel vm1, v18, v16;
	v5, _, _ =	vpop (xrf0);
	v12 =	vld [tilespmem:s13+$0x400]  }
0x41: {  	_ = 	snop  }
0x42: {  	v14 =	vsel vm0, $0xFF800000, v14  }
0x43: {  	v3 =	vmax.f32 v14, v3  }
0x44: {  	vm0 =	vgt.f32 v2, v13;
	v3 =	vadd.f32 v3, v11  }
0x45: {  	v10 =	vadd.f32 v15, v10;
	vm5 =	veq.s32 v1, $0x0;
	v2 =	vsel vm0, v2, v13  }
0x46: {  	s9 =	sadd.s32 $0x40, s9;
	v1 =	vperm.xlane v5, v0;
	v4 =	vadd.f32 v4, v12;
	vm2 =	vgt.f32 v3, v2  }
0x47: {  	v59 =	vbroadcast v5, $0xF;
	v60, _, _ =	vpop (xrf0);
	v8 =	vadd.f32 v8, v9;
	v2 =	vsel vm2, v3, v2;
	v3 =	vld [tilespmem:s9+$0x0]  }
0x48: {  	v1 =	vsel vm5, $0xFF800000, v1;
	v61 =	vperm.xlane v60, v0;
	vm3 =	vgt.f32 v4, v2  }
0x49: {  	v11 =	vmax.f32 v6, v59;
	v5 =	vbroadcast v60, $0xF;
	v2 =	vsel vm3, v4, v2;
	v4 =	vld [tilespmem:s5+$0x400]  }
0x4a: {  	v1 =	vmax.f32 v1, v6;
	v9 =	vsel vm5, $0xFF800000, v61;
	vm4 =	vgt.f32 v8, v2  }
0x4b: {  	v63 =	vld [tilespmem:s6+$0x400];
	v62, _, _ =	vpop (xrf0);
	v5 =	vmax.f32 v11, v5;
	v9 =	vmax.f32 v9, v11;
	v2 =	vsel vm4, v8, v2  }
0x4c: {  	v6, _, _ =	vpop (xrf0);
	v8 =	vperm.xlane v62, v0;
	v1 =	vadd.f32 v1, v3;
	vm6 =	vgt.f32 v10, v2  }
0x4d: {  	v0 =	vperm.xlane v6, v0;
	v6 =	vld [tilespmem:s4+$0x400];
	v3 =	vbroadcast v62, $0xF;
	v2 =	vsel vm6, v10, v2  }
0x4e: {  	v8 =	vsel vm5, $0xFF800000, v8;
	v4 =	vadd.f32 v9, v4;
	vm7 =	vgt.f32 v1, v2  }
0x4f: {  	v0 =	vsel vm5, $0xFF800000, v0;
	v8 =	vmax.f32 v8, v5;
	v1 =	vsel vm7, v1, v2  }
0x50: {  	v3 =	vmax.f32 v5, v3;
	v2 =	vadd.f32 v8, v63;
	vm5 =	vgt.f32 v4, v1  }
0x51: {  	v0 =	vmax.f32 v0, v3;
	v1 =	vsel vm5, v4, v1  }
0x52: {  	v0 =	vadd.f32 v0, v6;
	vm8 =	vgt.f32 v2, v1  }
0x53: {  	v1 =	vsel vm8, v2, v1  }
0x54: {  	v2 =	vsel vm1, s12, v7;
	vm1 =	vgt.f32 v0, v1  }
0x55: {  	s18 =	sadd.s32 $0xFFFFFFFD, s7;
	v2 =	vsel vm0, s8, v2;
	v3 =	vsel vm1, v0, v1  }
0x56: {  	s19 =	sadd.s32 $0xFFFFFFFE, s7;
	v0 =	vsel vm2, s18, v2;
	(xrf0) =	vmax.scan.msk.f32 $0xffff, v3  }
0x57: {  	s20 =	sadd.s32 $0xFFFFFFFF, s7;
	v0 =	vsel vm3, s19, v0  }
0x58: {  	s21 =	sadd.s32 $0x4, s7;
	v0 =	vsel vm4, s20, v0  }
0x59: {  	s22 =	sadd.s32 $0xFFFFFFFD, s21;
	v0 =	vsel vm6, s7, v0  }
0x5a: {  	s23 =	sadd.s32 $0xFFFFFFFE, s21;
	v0 =	vsel vm7, s22, v0  }
0x5b: {  	s24 =	sadd.s32 $0xFFFFFFFF, s21;
	v0 =	vsel vm5, s23, v0  }
0x5c: {  	v0 =	vsel vm8, s24, v0;
	v1, _, _ =	vpop (xrf0)  }
0x5d: {  	v2 =	vsel vm1, s21, v0;
	v0 =	vlaneseq.u32;
	v4 =	vbroadcast v1, $0xF  }
0x5e: {  	v2 =	vshll.u32 v2, $0x4;
	v1 =	vor.u32 $0x80000000, v0  }
0x5f: {  	v2 =	vxor.u32 v1, v2;
	vm0 =	veq.f32 v3, v4  }
0x60: {  	v2 =	vnsel vm0, $0x80000400, v2  }
0x61: {  	(xrf0) =	vmin.scan.msk.u32 $0xffff, v2;
	_ =	sdelay $0x5  }
0x62: {  	v2, _, _ =	vpop (xrf0)  }
0x63: {  	(v2sf) =	vpush v2, $0xF;
	_ =	sdelay $0xe  }
0x64: {  	s25 =	spop (v2sf)  }
0x65: {  	s5 =	sxor.u32 $0x80000000, s25  }
0x66: {  	s26 =	simm.s32 $0x10;
	vm0 =	vmxor vm0, vm0;
	s6 =	sshrl.u32 s5, $0x4  }
0x67: {  	s4 =	simm.s32 $0x0;
	vm2 =	vmmov vm0;
	s10 =	sand.u32 $0xF, s25;
	s8 =	sadd.s32 $0xFFFFFFFE, s6  }
0x68: {  	s11 =	sand.u32 $0xFFFFFFC0, s4;
	vm4 =	vmmov vm0;
	vm5 =	vmmov vm0;
	v2 =	vmov s10;
	p2 =	seq.s32 s6, $0x0;
	p0 =	seq.s32 s8, $0x0  }
0x69: {  	s30 =	simm.s32 $0x20;
	v3 =	vld [tilespmem:s11+$0x0];
	s7 =	sadd.s32 $0xFFFFFFFD, s6;
	vm1 =	vgt.u32 v2, v0;
	vm4 =	vmneg @p2 vm4;
	vm2 =	vmneg @p0 vm2;
	p0 =	sgt.u32 s6, $0x0  }
0x6a: {  	s28 =	sand.u32 $0x50, s26;
	s13 =	sand.u32 $0xFFFFFF80, s4;
	vm3 =	vmmov vm0;
	p1 =	seq.s32 s7, $0x0;
	vm4 =	vmand vm1, vm4;
	vm5 =	vmneg @p0 vm5  }
0x6b: {  	vm6 =	vmmov vm0;
	s10 =	sor.u32 s28, s13;
	s9 =	sadd.s32 $0xFFFFFFFF, s6;
	s29 =	sadd.s32 $0x4, s6;
	vm3 =	vmneg @p1 vm3;
	vm4 =	vmor vm5, vm4  }
0x6c: {  	v6 =	vld [tilespmem:s10+$0x0];
	s10 =	sand.u32 $0x1FFFFFFC, s29;
	p1 =	seq.s32 s9, $0x0;
	p0 =	sgt.u32 s6, $0x1;
	vm5 =	vmand vm1, vm2;
	vm2 =	vmand vm1, vm3;
	vm3 =	vmmov vm0  }
0x6d: {  	v5 =	vimm.f32 $-Inf;
	s12 =	sand.u32 $0x60, s30;
	vm6 =	vmneg @p1 vm6;
	vm3 =	vmneg @p0 vm3;
	p0 =	sne.s32 s10, $0x4  }
.Ltmp1:
0x6e: {  	s14 =	simm.s32 $0x30;
	s12 =	sor.u32 s12, s13;
	v4 =	vimm.s32 $0x0;
	v3 =	vnsel vm4, $0xFF800000, v3;
	vm4 =	vmand vm1, vm6;
	(pc) =	sbr.rel @!p0 .LBB2_4-.Ltmp1, $4  }
0x6f: {  	s14 =	sand.u32 $0x70, s14;
	v2 =	vld [tilespmem:s12+$0x0];
	p1 =	sgt.u32 s6, $0x2;
	vm6 =	vmmov vm0;
	vm3 =	vmor vm3, vm4;
	vm4 =	vgt.f32 v3, v5  }
0x70: {  	s31 =	sor.u32 s14, s13;
	vm6 =	vmneg @p1 vm6;
	v4 =	vsel vm4, s4, v4  }
0x71: {  	s15 =	simm.s32 $0x1;
	s14 =	simm.s32 $0x2;
	p1 =	sgt.u32 s6, $0x3;
	v5 =	vsel vm4, v3, v5;
	v6 =	vnsel vm3, $0xFF800000, v6;
	vm3 =	vmmov vm0;
	v3 =	vld [tilespmem:s31+$0x0]  }
0x72: {  	s11 =	simm.s32 $0x4;
	s13 =	simm.s32 $0x3;
	s12 =	simm.s32 $0x0;
	vm5 =	vmor vm6, vm5;
	vm4 =	vgt.f32 v6, v5;
	vm3 =	vmneg @p1 vm3  }
.LBB2_3:
0x73: {  	v4 =	vsel vm4, s15, v4  }
0x74: {  	p2 =	seq.s32 s8, s11;
	v5 =	vsel vm4, v6, v5;
	v2 =	vnsel vm5, $0xFF800000, v2;
	vm2 =	vmor vm3, vm2  }
0x75: {  	p1 =	seq.s32 s7, s11;
	s12 =	sadd.s32 $0x40, s12;
	s16 =	smov.u32 s11;
	vm3 =	vmmov vm0;
	vm5 =	vmmov vm0;
	vm4 =	vgt.f32 v2, v5  }
0x76: {  	s11 =	sadd.s32 $0x4, s11;
	s15 =	sand.u32 $0xFFFFFFC0, s12;
	s17 =	sadd.s32 $0x10, s12;
	vm3 =	vmneg @p1 vm3;
	v2 =	vsel vm4, v2, v5;
	v3 =	vnsel vm2, $0xFF800000, v3  }
0x77: {  	p3 =	seq.s32 s6, s16;
	v6 =	vld [tilespmem:s15+$0x0];
	v4 =	vsel vm4, s14, v4;
	vm2 =	vmmov vm0;
	vm4 =	vgt.f32 v3, v2  }
0x78: {  	s18 =	sand.u32 $0xFFFFFF80, s12;
	p0 =	sne.s32 s10, s11;
	s15 =	sand.u32 $0x50, s17;
	vm5 =	vmneg @p3 vm5;
	vm2 =	vmneg @p2 vm2;
	v4 =	vsel vm4, s13, v4  }
0x79: {  	p1 =	slt.u32 s16, s6;
	s14 =	sor.u32 s15, s18;
	s15 =	sadd.s32 $0x20, s12;
	v5 =	vsel vm4, v3, v2;
	vm4 =	vmand vm1, vm5;
	vm5 =	vmmov vm0  }
0x7a: {  	vm6 =	vmmov vm0;
	vm7 =	vmmov vm0;
	p2 =	seq.s32 s9, s16;
	v7 =	vld [tilespmem:s14+$0x0];
	s14 =	sand.u32 $0x60, s15;
	s15 =	sadd.s32 $0x1, s16;
	vm5 =	vmneg @p1 vm5  }
0x7b: {  	s17 =	sadd.s32 $0x30, s12;
	vm6 =	vmneg @p2 vm6;
	s13 =	sor.u32 s14, s18;
	p1 =	slt.u32 s15, s6;
	vm4 =	vmor vm5, vm4;
	vm5 =	vmand vm1, vm2  }
.Ltmp2:
0x7c: {  	s14 =	sadd.s32 $0x2, s16;
	v2 =	vld [tilespmem:s13+$0x0];
	s13 =	sand.u32 $0x70, s17;
	vm2 =	vmand vm1, vm3;
	v6 =	vnsel vm4, $0xFF800000, v6;
	vm4 =	vmmov vm0;
	(pc) =	sbr.rel @p0 .LBB2_3-.Ltmp2, $4  }
0x7d: {  	vm3 =	vmand vm1, vm6;
	s17 =	sor.u32 s13, s18;
	vm4 =	vmneg @p1 vm4;
	p1 =	slt.u32 s14, s6;
	vm6 =	vgt.f32 v6, v5  }
0x7e: {  	s13 =	sadd.s32 $0x3, s16;
	vm3 =	vmor vm4, vm3;
	vm7 =	vmneg @p1 vm7;
	v3 =	vld [tilespmem:s17+$0x0];
	v4 =	vsel vm6, s16, v4  }
0x7f: {  	v5 =	vsel vm6, v6, v5;
	p1 =	slt.u32 s13, s6;
	v6 =	vnsel vm3, $0xFF800000, v7;
	vm3 =	vmmov vm0  }
0x80: {  	vm5 =	vmor vm7, vm5;
	vm4 =	vgt.f32 v6, v5;
	vm3 =	vmneg @p1 vm3  }
.LBB2_4:
0x81: {  	_ = 	snop  }
0x82: {  	v5 =	vsel vm4, v6, v5;
	v2 =	vnsel vm5, $0xFF800000, v2  }
0x83: {  	vm1 =	vmor vm3, vm2;
	vm0 =	vgt.f32 v2, v5  }
0x84: {  	v2 =	vsel vm0, v2, v5;
	v3 =	vnsel vm1, $0xFF800000, v3  }
0x85: {  	vm1 =	vgt.f32 v3, v2  }
0x86: {  	v2 =	vsel vm1, v3, v2  }
0x87: {  	(xrf0) =	vmax.scan.msk.f32 $0xffff, v2;
	_ =	sdelay $0x4  }
0x88: {  	v60 =	vsel vm4, s15, v4  }
0x89: {  	v3 =	vsel vm0, s14, v60;
	v61, _, _ =	vpop (xrf0)  }
0x8a: {  	v3 =	vsel vm1, s13, v3;
	v4 =	vbroadcast v61, $0xF  }
0x8b: {  	v3 =	vshll.u32 v3, $0x4  }
0x8c: {  	v1 =	vxor.u32 v1, v3;
	vm13 =	veq.f32 v2, v4  }
0x8d: {  	v1 =	vnsel vm13, $0x80000400, v1  }
0x8e: {  	(xrf0) =	vmin.scan.msk.u32 $0xffff, v1;
	_ =	sdelay $0x5  }
0x8f: {  	v1, _, _ =	vpop (xrf0)  }
0x90: {  	(v2sf) =	vpush v1, $0xF;
	_ =	sdelay $0xe  }
0x91: {  	s6 =	spop (v2sf)  }
0x92: {  	v62 =	vmov s5;
	vm14 =	veq.s32 v0, $0x0;
	s6 =	sxor.u32 $0x80000000, s6  }
0x93: {  	v0 =	vsel vm14, s6, v62;
	_ =	sdelay $0x3  }
0x94: {  	s29 =	simm.s32 $0x800  }
0x95: {  	v0 =	vld.idx.msk [tilespmem:v0+s29+$0x0], $0xffff;
	_ =	sdelay $0x4  }
0x96: {  	v63 =	vimm.f32 $0.0e+00;
	vm15 =	vcmask $0x704;
	v0 =	vcvt.s32.f32 v0  }
0x97: {  	v1 =	vsel vm15, $0x3F800000, v63  }
0x98: {  	v0 =	vadd.f32 v1, v0;
	_ =	sdelay $0x1  }
0x99: {  	s2 =	sadd.s32 s3, s2;
	s30 =	simm.s32 $0xC00;
	s31 =	simm.s32 $0x1;
	[tilespmem:$0xC00] =	vst v0  }
0x9a: {  	[hbm4b:s2+s4] =	stream.linear.scatter [tilespmem:s30], [sflag:$0x1], $0x10, $0x38;
	[tilespmem:$0xC80] =	vst v63  }
0x9b: {  	_ =	swait.ge [sflag:s31], $0x10  }
0x9c: {  	[sflag:s31] =	ssyncset.done $0x0  }
0x9d: {  	[sflag:s31] =	ssyncadd.s32 $0xFFFFFFF0  }
0x9e: {  	_ =	sfence.sel $0x180000  }
0x9f: {  	[bflag:$0x0] =	sbarrier.arrive $0xFFFF  }
0xa0: {  	p0 =	sne.s32 s1, $0x0;
	_ =	strace $0x90000047  }
0xa1: {  	s0 =	sadd.s32 @!p0 $0x100000, s0;
	[bflag:$0x2] =	sbarrier.arrive $0xFFFF  }
0xa2: {  	[sflag:s0] =	ssyncadd.tile.s32 @!p0 $0x1;
	_ =	shalt  }
.Lfunc_end2:
_tile_overlayer_lowered:
.L_overlay_start_2:
0xa3: {  	(tag) =	ssettag $0x2  }
0xa4: {  	s0 =	rddreg [dreg:$0x0];
	s2 =	stileid.u32  }
0xa5: {  	s1 =	rddreg [dreg:$0x1];
	p0 =	sne.s32 s2, $0x0  }
0xa6: {  	s3 =	rddreg [dreg:$0x2];
	[bflag:$0x3] =	sbarrier.arrive $0xFFFF;
	s2 =	simm.s32 @!p0 $0x1C01  }
0xa7: {  	[timem:s3], [sflag:s2] =	dma.local @!p0 [hbm:s0], s1  }
0xa8: {  	s0 =	simm.s32 @!p0 $0x1  }
0xa9: {  	_ =	swait.ge @!p0 [sflag:s0], s1  }
0xaa: {  	s1 =	ssub.s32 @!p0 $0x0, s1;
	[sflag:s0] =	ssyncset.done @!p0 $0x0  }
0xab: {  	[sflag:s0] =	ssyncadd.s32 @!p0 s1  }
0xac: {  	[bflag:$0x3] =	sbarrier.arrive $0xFFFF  }
0xad: {  	_ =	shalt  }

</sc_bundles>
